<compile_context>
chip_gen: v7x
topology: tpu7x:2x2x1
jax: 0.10.2.dev20260603
libtpu: 0.0.44.dev20260713+nightly
codegen_flags: <defaults>
</compile_context>

<pallas_src>
import functools

import jax
import jax.numpy as jnp
from jax import lax
from jax.experimental import pallas as pl
from jax.experimental.pallas import tpu as pltpu
from jax.experimental.pallas import tpu_sc as plsc

_B, _S, _D = 4, 2048, 1024
_V, _H = 128, 1024
_TOT = _S + _V
_CH = 16
_VP = _V + _CH
_NC, _NS = 2, 16
_NW = _NC * _NS
_WPB = _NW // _B
_RPW = _TOT // _WPB
_CPW = _RPW // _CH


def _mlp_body(emb_ref, w1_ref, b1_ref, w2_ref, b2_ref, out_ref):
    h = jnp.tanh(
        jnp.dot(emb_ref[...], w1_ref[...], preferred_element_type=jnp.float32)
        + b1_ref[...]
    )
    o = jnp.dot(h, w2_ref[...], preferred_element_type=jnp.float32) + b2_ref[...]
    out_ref[: _V, :] = o
    out_ref[_V:, :] = jnp.zeros((_VP - _V, _D), jnp.float32)


def _virtual_table(W_emb, W1, b1, W2, b2):
    return pl.pallas_call(
        _mlp_body,
        out_shape=jax.ShapeDtypeStruct((_VP, _D), jnp.float32),
    )(W_emb, W1, b1.reshape(1, _H), W2, b2.reshape(1, _D))


_sc_mesh = plsc.VectorSubcoreMesh(core_axis_name="c", subcore_axis_name="s")


@functools.partial(
    pl.kernel,
    mesh=_sc_mesh,
    out_type=jax.ShapeDtypeStruct((_B, _TOT, _D), jnp.float32),
    scratch_types=[
        pltpu.VMEM((_CH, _D), jnp.float32),
        pltpu.VMEM((_CH, _D), jnp.float32),
        pltpu.VMEM((16,), jnp.int32),
    ],
    compiler_params=pltpu.CompilerParams(
        use_tc_tiling_on_sc=False, needs_layout_passes=False
    ),
)
def _sc_assemble(inputs_hbm, vpad_hbm, seq_hbm, out_hbm, buf, zbuf, seqv):
    wid = lax.axis_index("s") * _NC + lax.axis_index("c")
    b = wid // _WPB
    t0 = (wid % _WPB) * _RPW

    pltpu.sync_copy(seq_hbm, seqv)
    pltpu.sync_copy(vpad_hbm.at[pl.ds(_V, _CH)], zbuf)
    lane = lax.iota(jnp.int32, 16)
    ln = jnp.max(jnp.where(lane == b, seqv[...], 0))

    def chunk(c, carry):
        r = t0 + c * _CH
        off = r - ln

        @pl.when(off <= -_CH)
        def _():
            pltpu.sync_copy(inputs_hbm.at[b, pl.ds(r, _CH)], buf)
            pltpu.sync_copy(buf, out_hbm.at[b, pl.ds(r, _CH)])

        @pl.when((off > -_CH) & (off < 0))
        def _():
            def row(j, cr):
                t = r + j

                def from_inputs(_):
                    pltpu.sync_copy(
                        inputs_hbm.at[b, pl.ds(t, 1)], buf.at[pl.ds(j, 1)]
                    )
                    return 0

                def from_virtual(_):
                    pltpu.sync_copy(
                        vpad_hbm.at[pl.ds(t - ln, 1)], buf.at[pl.ds(j, 1)]
                    )
                    return 0

                lax.cond(t < ln, from_inputs, from_virtual, 0)
                return cr

            lax.fori_loop(0, _CH, row, 0)
            pltpu.sync_copy(buf, out_hbm.at[b, pl.ds(r, _CH)])

        @pl.when((off >= 0) & (off <= _V))
        def _():
            pltpu.sync_copy(vpad_hbm.at[pl.ds(off, _CH)], buf)
            pltpu.sync_copy(buf, out_hbm.at[b, pl.ds(r, _CH)])

        @pl.when(off > _V)
        def _():
            pltpu.sync_copy(zbuf, out_hbm.at[b, pl.ds(r, _CH)])

        return carry

    lax.fori_loop(0, _CPW, chunk, 0)


def kernel(inputs, seq_len, W_emb, W1, b1, W2, b2):
    vpad = _virtual_table(W_emb, W1, b1, W2, b2)
    seq_pad = jnp.zeros((16,), jnp.int32).at[: _B].set(seq_len.astype(jnp.int32))
    out = _sc_assemble(inputs, vpad, seq_pad)
    return out, seq_len + _V

# --- scband reference (transcript-rebuilt; emitter-appended) ---
"""Pipeline reference for scband-point-union-17076789969264 (READ-ONLY COPY).

The authoritative reference and input builder live on the scoring server;
editing this copy changes nothing except your own understanding.
"""

import jax, jax.numpy as jnp
import numpy as np

B, S, D = 4, 2048, 1024
V, H = 128, 1024

def setup_inputs(seed: int = 0) -> dict:
    key = jax.random.key(seed)
    k1, k2, k3, k4, k5, k6, k7 = jax.random.split(key, 7)
    inputs = jax.random.normal(k1, (B, S, D), dtype=jnp.float32)
    seq_len = jax.random.randint(k2, (B,), 0, S, dtype=jnp.int64) if jax.config.jax_enable_x64 else jax.random.randint(k2, (B,), 0, S, dtype=jnp.int32)
    W_emb = jax.random.normal(k3, (V, H), dtype=jnp.float32) * 0.02
    W1 = jax.random.normal(k4, (H, H), dtype=jnp.float32) * (1.0 / np.sqrt(H))
    b1 = jnp.zeros((H,), dtype=jnp.float32)
    W2 = jax.random.normal(k5, (H, D), dtype=jnp.float32) * (1.0 / np.sqrt(H))
    b2 = jnp.zeros((D,), dtype=jnp.float32)
    return {"inputs": inputs, "seq_len": seq_len, "W_emb": W_emb, "W1": W1, "b1": b1, "W2": W2, "b2": b2}

def reference(inputs, seq_len, W_emb, W1, b1, W2, b2):
    # append_virtual_embedding with projection=True
    b, s, d = inputs.shape
    v, h = W_emb.shape
    # indices = arange(V) stacked over batch -> embedding lookup of full table per batch row
    idx = jnp.broadcast_to(jnp.arange(v)[None, :], (b, v))
    virtual_tokens = jnp.take(W_emb, idx, axis=0)  # [B, V, H]
    hidden = jnp.tanh(jnp.einsum('bvh,hk->bvk', virtual_tokens, W1) + b1)
    virtual_inputs = jnp.einsum('bvh,hd->bvd', hidden, W2) + b2  # [B, V, D]
    total = s + v
    pos = jnp.arange(total)[None, :]            # [1, total]
    len_b = seq_len[:, None].astype(jnp.int32)  # [B, 1]
    brow = jnp.arange(b)[:, None]
    in_idx = jnp.clip(jnp.broadcast_to(pos, (b, total)), 0, s - 1)
    in_g = inputs[brow, in_idx]                 # [B, total, D]
    v_idx = jnp.clip(pos - len_b, 0, v - 1)
    v_g = virtual_inputs[brow, v_idx]           # [B, total, D]
    mask_in = (pos < len_b)[..., None]
    mask_v = ((pos >= len_b) & (pos < len_b + v))[..., None]
    outputs = jnp.where(mask_in, in_g, 0.0) + jnp.where(mask_v, v_g, 0.0)
    new_seq_len = seq_len + v
    return outputs, new_seq_len

if __name__ == "__main__":
    import jax
    _d = setup_inputs()
    print(jax.jit(kernel)(*tuple(_d.values())))

</pallas_src>

<mosaic_0001>
#map = affine_map<(d0, d1) -> (0, 0, 0)>
#map1 = affine_map<(d0, d1) -> (0, 0)>
#map2 = affine_map<(d0, d1) -> (0)>
module attributes {stable_mosaic.version = 14 : i64} {
  func.func @_sc_assemble(%arg0: i32, %arg1: i32, %arg2: memref<4x2048x1024xf32, #tpu.memory_space<hbm>>, %arg3: memref<144x1024xf32, #tpu.memory_space<hbm>>, %arg4: memref<16xi32, #tpu.memory_space<hbm>>, %arg5: memref<4x2176x1024xf32, #tpu.memory_space<hbm>>, %arg6: memref<16x1024xf32, #tpu.memory_space<vmem>>, %arg7: memref<16x1024xf32, #tpu.memory_space<vmem>>, %arg8: memref<16xi32, #tpu.memory_space<vmem>>) attributes {dimension_semantics = [#tpu.dimension_semantics<core_parallel>, #tpu.dimension_semantics<subcore_parallel>], iteration_bounds = array<i64: 2, 16>, scalar_prefetch = 0 : i64, scratch_operands = 3 : i64, tpu.core_type = #tpu.core_type<sc_vector_subcore>, window_params = [{transform_indices = #map}, {transform_indices = #map1}, {transform_indices = #map2}, {transform_indices = #map}]} {
    %mul3A = arith.constant 2 : i32
    %mul3A_0 = arith.muli %arg1, %mul3A : i32
    %add3A = arith.addi %mul3A_0, %arg0 : i32
    %jit3A = arith.constant 8 : i32
    %div3A = arith.divsi %add3A, %jit3A : i32
    %sign3A = arith.constant 0 : i32
    %sign3A_1 = arith.cmpi sgt, %add3A, %sign3A : i32
    %sign3A_2 = arith.extui %sign3A_1 : i1 to i32
    %sign3A_3 = arith.constant 0 : i32
    %sign3A_4 = arith.cmpi slt, %add3A, %sign3A_3 : i32
    %sign3A_5 = arith.extui %sign3A_4 : i1 to i32
    %sign3A_6 = arith.subi %sign3A_2, %sign3A_5 : i32
    %sign3A_7 = arith.constant 0 : i32
    %sign3A_8 = arith.cmpi sgt, %jit3A, %sign3A_7 : i32
    %sign3A_9 = arith.extui %sign3A_8 : i1 to i32
    %sign3A_10 = arith.constant 0 : i32
    %sign3A_11 = arith.cmpi slt, %jit3A, %sign3A_10 : i32
    %sign3A_12 = arith.extui %sign3A_11 : i1 to i32
    %sign3A_13 = arith.subi %sign3A_9, %sign3A_12 : i32
    %ne3A = arith.cmpi ne, %sign3A_6, %sign3A_13 : i32
    %rem3A = arith.remsi %add3A, %jit3A : i32
    %ne3A_14 = arith.constant 0 : i32
    %ne3A_15 = arith.cmpi ne, %rem3A, %ne3A_14 : i32
    %and3A = arith.andi %ne3A, %ne3A_15 : i1
    %sub3A = arith.constant 1 : i32
    %sub3A_16 = arith.subi %div3A, %sub3A : i32
    %select_n3A = arith.select %and3A, %sub3A_16, %div3A : i32
    %jit3A_17 = arith.constant 8 : i32
    %eq3A = arith.constant 0 : i32
    %eq3A_18 = arith.cmpi eq, %jit3A_17, %eq3A : i32
    %jit3A_19 = arith.constant 1 : i32
    %select_n3A_20 = arith.select %eq3A_18, %jit3A_19, %jit3A_17 : i32
    %rem3A_21 = arith.remsi %add3A, %select_n3A_20 : i32
    %ne3A_22 = arith.constant 0 : i32
    %ne3A_23 = arith.cmpi ne, %rem3A_21, %ne3A_22 : i32
    %lt3A = arith.constant 0 : i32
    %lt3A_24 = arith.cmpi slt, %rem3A_21, %lt3A : i32
    %lt3A_25 = arith.constant 0 : i32
    %lt3A_26 = arith.cmpi slt, %select_n3A_20, %lt3A_25 : i32
    %ne3A_27 = arith.xori %lt3A_24, %lt3A_26 : i1
    %and3A_28 = arith.andi %ne3A_27, %ne3A_23 : i1
    %add3A_29 = arith.addi %rem3A_21, %select_n3A_20 : i32
    %select_n3A_30 = arith.select %and3A_28, %add3A_29, %rem3A_21 : i32
    %mul3A_31 = arith.constant 272 : i32
    %mul3A_32 = arith.muli %select_n3A_30, %mul3A_31 : i32
    "tpu.region"() ({
      %run_scoped3A = tpu.sem_alloc : memref<!tpu.dma_semaphore, #tpu.memory_space<semaphore_mem>>
      tpu.enqueue_dma source(%arg4 : memref<16xi32, #tpu.memory_space<hbm>>) target(%arg8 : memref<16xi32, #tpu.memory_space<vmem>>) target_semaphore(%run_scoped3A : memref<!tpu.dma_semaphore, #tpu.memory_space<semaphore_mem>>)
      tpu.wait_dma2 semaphore(%run_scoped3A : memref<!tpu.dma_semaphore, #tpu.memory_space<semaphore_mem>>) src(%arg4 : memref<16xi32, #tpu.memory_space<hbm>>) dst(%arg8 : memref<16xi32, #tpu.memory_space<vmem>>)
      tpu.yield
    }) : () -> ()
    "tpu.region"() ({
      %run_scoped3A = tpu.sem_alloc : memref<!tpu.dma_semaphore, #tpu.memory_space<semaphore_mem>>
      %dma_start3A = arith.constant 128 : i32
      %dma_start3A_50 = arith.constant 0 : i32
      %dma_start3A_51 = tpu.memref_slice %arg3[%dma_start3A, %dma_start3A_50] : memref<144x1024xf32, #tpu.memory_space<hbm>> -> memref<16x1024xf32, #tpu.memory_space<hbm>>
      %dma_start3A_52 = arith.constant 128 : i32
      %dma_start3A_53 = arith.constant 0 : i32
      %dma_start3A_54 = tpu.memref_slice %arg3[%dma_start3A_52, %dma_start3A_53] : memref<144x1024xf32, #tpu.memory_space<hbm>> -> memref<16x1024xf32, #tpu.memory_space<hbm>>
      tpu.enqueue_dma source(%dma_start3A_54 : memref<16x1024xf32, #tpu.memory_space<hbm>>) target(%arg7 : memref<16x1024xf32, #tpu.memory_space<vmem>>) target_semaphore(%run_scoped3A : memref<!tpu.dma_semaphore, #tpu.memory_space<semaphore_mem>>)
      %dma_wait3A = arith.constant 128 : i32
      %dma_wait3A_55 = arith.constant 0 : i32
      %dma_wait3A_56 = tpu.memref_slice %arg3[%dma_wait3A, %dma_wait3A_55] : memref<144x1024xf32, #tpu.memory_space<hbm>> -> memref<16x1024xf32, #tpu.memory_space<hbm>>
      %dma_wait3A_57 = arith.constant 128 : i32
      %dma_wait3A_58 = arith.constant 0 : i32
      %dma_wait3A_59 = tpu.memref_slice %arg3[%dma_wait3A_57, %dma_wait3A_58] : memref<144x1024xf32, #tpu.memory_space<hbm>> -> memref<16x1024xf32, #tpu.memory_space<hbm>>
      tpu.wait_dma2 semaphore(%run_scoped3A : memref<!tpu.dma_semaphore, #tpu.memory_space<semaphore_mem>>) src(%dma_wait3A_59 : memref<16x1024xf32, #tpu.memory_space<hbm>>) dst(%arg7 : memref<16x1024xf32, #tpu.memory_space<vmem>>)
      tpu.yield
    }) : () -> ()
    %iota3A = tpu.iota {dimensions = array<i32: 0>} : vector<16xi32>
    %eq3A_33 = vector.broadcast %select_n3A : i32 to vector<16xi32>
    %eq3A_34 = arith.cmpi eq, %iota3A, %eq3A_33 : vector<16xi32>
    %get3A = arith.constant 0 : index
    %get3A_35 = tpu.vector_load %arg8[%get3A] {strides = array<i32>} : memref<16xi32, #tpu.memory_space<vmem>>, vector<16xi32>,
    %jit3A_36 = arith.constant 0 : i32
    %broadcast_in_dim3A = vector.broadcast %jit3A_36 : i32 to vector<16xi32>
    %select_n3A_37 = arith.select %eq3A_34, %get3A_35, %broadcast_in_dim3A : vector<16xi1>, vector<16xi32>
    %reduce_max3A = arith.constant true
    %reduce_max3A_38 = vector.broadcast %reduce_max3A : i1 to vector<16xi1>
    %reduce_max3A_39 = arith.constant -2147483648 : i32
    %reduce_max3A_40 = vector.broadcast %reduce_max3A_39 : i32 to vector<16xi32>
    %reduce_max3A_41 = arith.xori %select_n3A_37, %reduce_max3A_40 : vector<16xi32>
    %reduce_max3A_42 = tpu.scan <max>, %reduce_max3A_41 masked %reduce_max3A_38 : vector<16xi32>, vector<16xi1> -> vector<16xi32>
    %reduce_max3A_43 = arith.xori %reduce_max3A_42, %reduce_max3A_40 : vector<16xi32>
    %reduce_max3A_44 = vector.extract %reduce_max3A_43[15] : i32 from vector<16xi32>
    %scan3A = arith.constant 0 : i32
    %scan3A_45 = arith.constant 0 : i32
    %scan3A_46 = arith.constant 17 : i32
    %scan3A_47 = arith.addi %scan3A_45, %scan3A_46 : i32
    %scan3A_48 = arith.constant 1 : i32
    scf.for %scan3A_50 = %scan3A_45 to %scan3A_47 step %scan3A_48  : i32 {
      %mul3A_51 = arith.constant 16 : i32
      %mul3A_52 = arith.muli %scan3A_50, %mul3A_51 : i32
      %add3A_53 = arith.addi %mul3A_32, %mul3A_52 : i32
      %sub3A_54 = arith.subi %add3A_53, %reduce_max3A_44 : i32
      %le3A = arith.constant -16 : i32
      %le3A_55 = arith.cmpi sle, %sub3A_54, %le3A : i32
      %convert_element_type3A = arith.extui %le3A_55 : i1 to i32
      %cond3A = arith.constant 0 : i32
      %cond3A_56 = arith.cmpi ne, %convert_element_type3A, %cond3A : i32
      scf.if %cond3A_56 {
        "tpu.region"() ({
          %run_scoped3A = tpu.sem_alloc : memref<!tpu.dma_semaphore, #tpu.memory_space<semaphore_mem>>
          %dma_start3A = arith.constant 0 : i32
          %dma_start3A_76 = tpu.memref_slice %arg2[%select_n3A, %add3A_53, %dma_start3A] : memref<4x2048x1024xf32, #tpu.memory_space<hbm>> -> memref<1x16x1024xf32, #tpu.memory_space<hbm>>
          %dma_start3A_77 = tpu.memref_squeeze %dma_start3A_76 : memref<1x16x1024xf32, #tpu.memory_space<hbm>> -> memref<16x1024xf32, #tpu.memory_space<hbm>>
          %dma_start3A_78 = arith.constant 0 : i32
          %dma_start3A_79 = tpu.memref_slice %arg2[%select_n3A, %add3A_53, %dma_start3A_78] : memref<4x2048x1024xf32, #tpu.memory_space<hbm>> -> memref<1x16x1024xf32, #tpu.memory_space<hbm>>
          %dma_start3A_80 = tpu.memref_squeeze %dma_start3A_79 : memref<1x16x1024xf32, #tpu.memory_space<hbm>> -> memref<16x1024xf32, #tpu.memory_space<hbm>>
          tpu.enqueue_dma source(%dma_start3A_80 : memref<16x1024xf32, #tpu.memory_space<hbm>>) target(%arg6 : memref<16x1024xf32, #tpu.memory_space<vmem>>) target_semaphore(%run_scoped3A : memref<!tpu.dma_semaphore, #tpu.memory_space<semaphore_mem>>)
          %dma_wait3A = arith.constant 0 : i32
          %dma_wait3A_81 = tpu.memref_slice %arg2[%select_n3A, %add3A_53, %dma_wait3A] : memref<4x2048x1024xf32, #tpu.memory_space<hbm>> -> memref<1x16x1024xf32, #tpu.memory_space<hbm>>
          %dma_wait3A_82 = tpu.memref_squeeze %dma_wait3A_81 : memref<1x16x1024xf32, #tpu.memory_space<hbm>> -> memref<16x1024xf32, #tpu.memory_space<hbm>>
          %dma_wait3A_83 = arith.constant 0 : i32
          %dma_wait3A_84 = tpu.memref_slice %arg2[%select_n3A, %add3A_53, %dma_wait3A_83] : memref<4x2048x1024xf32, #tpu.memory_space<hbm>> -> memref<1x16x1024xf32, #tpu.memory_space<hbm>>
          %dma_wait3A_85 = tpu.memref_squeeze %dma_wait3A_84 : memref<1x16x1024xf32, #tpu.memory_space<hbm>> -> memref<16x1024xf32, #tpu.memory_space<hbm>>
          tpu.wait_dma2 semaphore(%run_scoped3A : memref<!tpu.dma_semaphore, #tpu.memory_space<semaphore_mem>>) src(%dma_wait3A_85 : memref<16x1024xf32, #tpu.memory_space<hbm>>) dst(%arg6 : memref<16x1024xf32, #tpu.memory_space<vmem>>)
          tpu.yield
        }) : () -> ()
        "tpu.region"() ({
          %run_scoped3A = tpu.sem_alloc : memref<!tpu.dma_semaphore, #tpu.memory_space<semaphore_mem>>
          %dma_start3A = arith.constant 0 : i32
          %dma_start3A_76 = tpu.memref_slice %arg5[%select_n3A, %add3A_53, %dma_start3A] : memref<4x2176x1024xf32, #tpu.memory_space<hbm>> -> memref<1x16x1024xf32, #tpu.memory_space<hbm>>
          %dma_start3A_77 = tpu.memref_squeeze %dma_start3A_76 : memref<1x16x1024xf32, #tpu.memory_space<hbm>> -> memref<16x1024xf32, #tpu.memory_space<hbm>>
          %dma_start3A_78 = arith.constant 0 : i32
          %dma_start3A_79 = tpu.memref_slice %arg5[%select_n3A, %add3A_53, %dma_start3A_78] : memref<4x2176x1024xf32, #tpu.memory_space<hbm>> -> memref<1x16x1024xf32, #tpu.memory_space<hbm>>
          %dma_start3A_80 = tpu.memref_squeeze %dma_start3A_79 : memref<1x16x1024xf32, #tpu.memory_space<hbm>> -> memref<16x1024xf32, #tpu.memory_space<hbm>>
          tpu.enqueue_dma source(%arg6 : memref<16x1024xf32, #tpu.memory_space<vmem>>) target(%dma_start3A_80 : memref<16x1024xf32, #tpu.memory_space<hbm>>) target_semaphore(%run_scoped3A : memref<!tpu.dma_semaphore, #tpu.memory_space<semaphore_mem>>)
          %dma_wait3A = arith.constant 0 : i32
          %dma_wait3A_81 = tpu.memref_slice %arg5[%select_n3A, %add3A_53, %dma_wait3A] : memref<4x2176x1024xf32, #tpu.memory_space<hbm>> -> memref<1x16x1024xf32, #tpu.memory_space<hbm>>
          %dma_wait3A_82 = tpu.memref_squeeze %dma_wait3A_81 : memref<1x16x1024xf32, #tpu.memory_space<hbm>> -> memref<16x1024xf32, #tpu.memory_space<hbm>>
          %dma_wait3A_83 = arith.constant 0 : i32
          %dma_wait3A_84 = tpu.memref_slice %arg5[%select_n3A, %add3A_53, %dma_wait3A_83] : memref<4x2176x1024xf32, #tpu.memory_space<hbm>> -> memref<1x16x1024xf32, #tpu.memory_space<hbm>>
          %dma_wait3A_85 = tpu.memref_squeeze %dma_wait3A_84 : memref<1x16x1024xf32, #tpu.memory_space<hbm>> -> memref<16x1024xf32, #tpu.memory_space<hbm>>
          tpu.wait_dma2 semaphore(%run_scoped3A : memref<!tpu.dma_semaphore, #tpu.memory_space<semaphore_mem>>) src(%arg6 : memref<16x1024xf32, #tpu.memory_space<vmem>>) dst(%dma_wait3A_85 : memref<16x1024xf32, #tpu.memory_space<hbm>>)
          tpu.yield
        }) : () -> ()
      } else {
      }
      %gt3A = arith.constant -16 : i32
      %gt3A_57 = arith.cmpi sgt, %sub3A_54, %gt3A : i32
      %lt3A_58 = arith.constant 0 : i32
      %lt3A_59 = arith.cmpi slt, %sub3A_54, %lt3A_58 : i32
      %and3A_60 = arith.andi %gt3A_57, %lt3A_59 : i1
      %convert_element_type3A_61 = arith.extui %and3A_60 : i1 to i32
      %cond3A_62 = arith.constant 0 : i32
      %cond3A_63 = arith.cmpi ne, %convert_element_type3A_61, %cond3A_62 : i32
      scf.if %cond3A_63 {
        %scan3A_76 = arith.constant 0 : i32
        %scan3A_77 = arith.constant 0 : i32
        %scan3A_78 = arith.constant 16 : i32
        %scan3A_79 = arith.addi %scan3A_77, %scan3A_78 : i32
        %scan3A_80 = arith.constant 1 : i32
        scf.for %scan3A_82 = %scan3A_77 to %scan3A_79 step %scan3A_80  : i32 {
          %add3A_83 = arith.addi %add3A_53, %scan3A_82 : i32
          %lt3A_84 = arith.cmpi slt, %add3A_83, %reduce_max3A_44 : i32
          %convert_element_type3A_85 = arith.extui %lt3A_84 : i1 to i32
          %cond3A_86 = arith.constant 0 : i32
          %cond3A_87 = arith.constant 0 : i32
          %cond3A_88 = arith.cmpi ne, %convert_element_type3A_85, %cond3A_87 : i32
          %cond3A_89 = scf.if %cond3A_88 -> (i32) {
            "tpu.region"() ({
              %run_scoped3A = tpu.sem_alloc : memref<!tpu.dma_semaphore, #tpu.memory_space<semaphore_mem>>
              %dma_start3A = arith.constant 0 : i32
              %dma_start3A_91 = tpu.memref_slice %arg6[%scan3A_82, %dma_start3A] : memref<16x1024xf32, #tpu.memory_space<vmem>> -> memref<1x1024xf32, #tpu.memory_space<vmem>>
              %dma_start3A_92 = arith.constant 0 : i32
              %dma_start3A_93 = tpu.memref_slice %arg2[%select_n3A, %add3A_83, %dma_start3A_92] : memref<4x2048x1024xf32, #tpu.memory_space<hbm>> -> memref<1x1x1024xf32, #tpu.memory_space<hbm>>
              %dma_start3A_94 = tpu.memref_squeeze %dma_start3A_93 : memref<1x1x1024xf32, #tpu.memory_space<hbm>> -> memref<1x1024xf32, #tpu.memory_space<hbm>>
              %dma_start3A_95 = arith.constant 0 : i32
              %dma_start3A_96 = tpu.memref_slice %arg6[%scan3A_82, %dma_start3A_95] : memref<16x1024xf32, #tpu.memory_space<vmem>> -> memref<1x1024xf32, #tpu.memory_space<vmem>>
              %dma_start3A_97 = arith.constant 0 : i32
              %dma_start3A_98 = tpu.memref_slice %arg2[%select_n3A, %add3A_83, %dma_start3A_97] : memref<4x2048x1024xf32, #tpu.memory_space<hbm>> -> memref<1x1x1024xf32, #tpu.memory_space<hbm>>
              %dma_start3A_99 = tpu.memref_squeeze %dma_start3A_98 : memref<1x1x1024xf32, #tpu.memory_space<hbm>> -> memref<1x1024xf32, #tpu.memory_space<hbm>>
              tpu.enqueue_dma source(%dma_start3A_99 : memref<1x1024xf32, #tpu.memory_space<hbm>>) target(%dma_start3A_96 : memref<1x1024xf32, #tpu.memory_space<vmem>>) target_semaphore(%run_scoped3A : memref<!tpu.dma_semaphore, #tpu.memory_space<semaphore_mem>>)
              %dma_wait3A = arith.constant 0 : i32
              %dma_wait3A_100 = tpu.memref_slice %arg6[%scan3A_82, %dma_wait3A] : memref<16x1024xf32, #tpu.memory_space<vmem>> -> memref<1x1024xf32, #tpu.memory_space<vmem>>
              %dma_wait3A_101 = arith.constant 0 : i32
              %dma_wait3A_102 = tpu.memref_slice %arg2[%select_n3A, %add3A_83, %dma_wait3A_101] : memref<4x2048x1024xf32, #tpu.memory_space<hbm>> -> memref<1x1x1024xf32, #tpu.memory_space<hbm>>
              %dma_wait3A_103 = tpu.memref_squeeze %dma_wait3A_102 : memref<1x1x1024xf32, #tpu.memory_space<hbm>> -> memref<1x1024xf32, #tpu.memory_space<hbm>>
              %dma_wait3A_104 = arith.constant 0 : i32
              %dma_wait3A_105 = tpu.memref_slice %arg6[%scan3A_82, %dma_wait3A_104] : memref<16x1024xf32, #tpu.memory_space<vmem>> -> memref<1x1024xf32, #tpu.memory_space<vmem>>
              %dma_wait3A_106 = arith.constant 0 : i32
              %dma_wait3A_107 = tpu.memref_slice %arg2[%select_n3A, %add3A_83, %dma_wait3A_106] : memref<4x2048x1024xf32, #tpu.memory_space<hbm>> -> memref<1x1x1024xf32, #tpu.memory_space<hbm>>
              %dma_wait3A_108 = tpu.memref_squeeze %dma_wait3A_107 : memref<1x1x1024xf32, #tpu.memory_space<hbm>> -> memref<1x1024xf32, #tpu.memory_space<hbm>>
              tpu.wait_dma2 semaphore(%run_scoped3A : memref<!tpu.dma_semaphore, #tpu.memory_space<semaphore_mem>>) src(%dma_wait3A_108 : memref<1x1024xf32, #tpu.memory_space<hbm>>) dst(%dma_wait3A_105 : memref<1x1024xf32, #tpu.memory_space<vmem>>)
              tpu.yield
            }) : () -> ()
            %cond3A_90 = arith.constant 0 : i32
            scf.yield %cond3A_90 : i32
          } else {
            %sub3A_90 = arith.subi %add3A_83, %reduce_max3A_44 : i32
            "tpu.region"() ({
              %run_scoped3A = tpu.sem_alloc : memref<!tpu.dma_semaphore, #tpu.memory_space<semaphore_mem>>
              %dma_start3A = arith.constant 0 : i32
              %dma_start3A_92 = tpu.memref_slice %arg6[%scan3A_82, %dma_start3A] : memref<16x1024xf32, #tpu.memory_space<vmem>> -> memref<1x1024xf32, #tpu.memory_space<vmem>>
              %dma_start3A_93 = arith.constant 0 : i32
              %dma_start3A_94 = tpu.memref_slice %arg3[%sub3A_90, %dma_start3A_93] : memref<144x1024xf32, #tpu.memory_space<hbm>> -> memref<1x1024xf32, #tpu.memory_space<hbm>>
              %dma_start3A_95 = arith.constant 0 : i32
              %dma_start3A_96 = tpu.memref_slice %arg6[%scan3A_82, %dma_start3A_95] : memref<16x1024xf32, #tpu.memory_space<vmem>> -> memref<1x1024xf32, #tpu.memory_space<vmem>>
              %dma_start3A_97 = arith.constant 0 : i32
              %dma_start3A_98 = tpu.memref_slice %arg3[%sub3A_90, %dma_start3A_97] : memref<144x1024xf32, #tpu.memory_space<hbm>> -> memref<1x1024xf32, #tpu.memory_space<hbm>>
              tpu.enqueue_dma source(%dma_start3A_98 : memref<1x1024xf32, #tpu.memory_space<hbm>>) target(%dma_start3A_96 : memref<1x1024xf32, #tpu.memory_space<vmem>>) target_semaphore(%run_scoped3A : memref<!tpu.dma_semaphore, #tpu.memory_space<semaphore_mem>>)
              %dma_wait3A = arith.constant 0 : i32
              %dma_wait3A_99 = tpu.memref_slice %arg6[%scan3A_82, %dma_wait3A] : memref<16x1024xf32, #tpu.memory_space<vmem>> -> memref<1x1024xf32, #tpu.memory_space<vmem>>
              %dma_wait3A_100 = arith.constant 0 : i32
              %dma_wait3A_101 = tpu.memref_slice %arg3[%sub3A_90, %dma_wait3A_100] : memref<144x1024xf32, #tpu.memory_space<hbm>> -> memref<1x1024xf32, #tpu.memory_space<hbm>>
              %dma_wait3A_102 = arith.constant 0 : i32
              %dma_wait3A_103 = tpu.memref_slice %arg6[%scan3A_82, %dma_wait3A_102] : memref<16x1024xf32, #tpu.memory_space<vmem>> -> memref<1x1024xf32, #tpu.memory_space<vmem>>
              %dma_wait3A_104 = arith.constant 0 : i32
              %dma_wait3A_105 = tpu.memref_slice %arg3[%sub3A_90, %dma_wait3A_104] : memref<144x1024xf32, #tpu.memory_space<hbm>> -> memref<1x1024xf32, #tpu.memory_space<hbm>>
              tpu.wait_dma2 semaphore(%run_scoped3A : memref<!tpu.dma_semaphore, #tpu.memory_space<semaphore_mem>>) src(%dma_wait3A_105 : memref<1x1024xf32, #tpu.memory_space<hbm>>) dst(%dma_wait3A_103 : memref<1x1024xf32, #tpu.memory_space<vmem>>)
              tpu.yield
            }) : () -> ()
            %cond3A_91 = arith.constant 0 : i32
            scf.yield %cond3A_91 : i32
          }
        }
        %scan3A_81 = arith.constant 16 : i32
        "tpu.region"() ({
          %run_scoped3A = tpu.sem_alloc : memref<!tpu.dma_semaphore, #tpu.memory_space<semaphore_mem>>
          %dma_start3A = arith.constant 0 : i32
          %dma_start3A_82 = tpu.memref_slice %arg5[%select_n3A, %add3A_53, %dma_start3A] : memref<4x2176x1024xf32, #tpu.memory_space<hbm>> -> memref<1x16x1024xf32, #tpu.memory_space<hbm>>
          %dma_start3A_83 = tpu.memref_squeeze %dma_start3A_82 : memref<1x16x1024xf32, #tpu.memory_space<hbm>> -> memref<16x1024xf32, #tpu.memory_space<hbm>>
          %dma_start3A_84 = arith.constant 0 : i32
          %dma_start3A_85 = tpu.memref_slice %arg5[%select_n3A, %add3A_53, %dma_start3A_84] : memref<4x2176x1024xf32, #tpu.memory_space<hbm>> -> memref<1x16x1024xf32, #tpu.memory_space<hbm>>
          %dma_start3A_86 = tpu.memref_squeeze %dma_start3A_85 : memref<1x16x1024xf32, #tpu.memory_space<hbm>> -> memref<16x1024xf32, #tpu.memory_space<hbm>>
          tpu.enqueue_dma source(%arg6 : memref<16x1024xf32, #tpu.memory_space<vmem>>) target(%dma_start3A_86 : memref<16x1024xf32, #tpu.memory_space<hbm>>) target_semaphore(%run_scoped3A : memref<!tpu.dma_semaphore, #tpu.memory_space<semaphore_mem>>)
          %dma_wait3A = arith.constant 0 : i32
          %dma_wait3A_87 = tpu.memref_slice %arg5[%select_n3A, %add3A_53, %dma_wait3A] : memref<4x2176x1024xf32, #tpu.memory_space<hbm>> -> memref<1x16x1024xf32, #tpu.memory_space<hbm>>
          %dma_wait3A_88 = tpu.memref_squeeze %dma_wait3A_87 : memref<1x16x1024xf32, #tpu.memory_space<hbm>> -> memref<16x1024xf32, #tpu.memory_space<hbm>>
          %dma_wait3A_89 = arith.constant 0 : i32
          %dma_wait3A_90 = tpu.memref_slice %arg5[%select_n3A, %add3A_53, %dma_wait3A_89] : memref<4x2176x1024xf32, #tpu.memory_space<hbm>> -> memref<1x16x1024xf32, #tpu.memory_space<hbm>>
          %dma_wait3A_91 = tpu.memref_squeeze %dma_wait3A_90 : memref<1x16x1024xf32, #tpu.memory_space<hbm>> -> memref<16x1024xf32, #tpu.memory_space<hbm>>
          tpu.wait_dma2 semaphore(%run_scoped3A : memref<!tpu.dma_semaphore, #tpu.memory_space<semaphore_mem>>) src(%arg6 : memref<16x1024xf32, #tpu.memory_space<vmem>>) dst(%dma_wait3A_91 : memref<16x1024xf32, #tpu.memory_space<hbm>>)
          tpu.yield
        }) : () -> ()
      } else {
      }
      %ge3A = arith.constant 0 : i32
      %ge3A_64 = arith.cmpi sge, %sub3A_54, %ge3A : i32
      %le3A_65 = arith.constant 128 : i32
      %le3A_66 = arith.cmpi sle, %sub3A_54, %le3A_65 : i32
      %and3A_67 = arith.andi %ge3A_64, %le3A_66 : i1
      %convert_element_type3A_68 = arith.extui %and3A_67 : i1 to i32
      %cond3A_69 = arith.constant 0 : i32
      %cond3A_70 = arith.cmpi ne, %convert_element_type3A_68, %cond3A_69 : i32
      scf.if %cond3A_70 {
        "tpu.region"() ({
          %run_scoped3A = tpu.sem_alloc : memref<!tpu.dma_semaphore, #tpu.memory_space<semaphore_mem>>
          %dma_start3A = arith.constant 0 : i32
          %dma_start3A_76 = tpu.memref_slice %arg3[%sub3A_54, %dma_start3A] : memref<144x1024xf32, #tpu.memory_space<hbm>> -> memref<16x1024xf32, #tpu.memory_space<hbm>>
          %dma_start3A_77 = arith.constant 0 : i32
          %dma_start3A_78 = tpu.memref_slice %arg3[%sub3A_54, %dma_start3A_77] : memref<144x1024xf32, #tpu.memory_space<hbm>> -> memref<16x1024xf32, #tpu.memory_space<hbm>>
          tpu.enqueue_dma source(%dma_start3A_78 : memref<16x1024xf32, #tpu.memory_space<hbm>>) target(%arg6 : memref<16x1024xf32, #tpu.memory_space<vmem>>) target_semaphore(%run_scoped3A : memref<!tpu.dma_semaphore, #tpu.memory_space<semaphore_mem>>)
          %dma_wait3A = arith.constant 0 : i32
          %dma_wait3A_79 = tpu.memref_slice %arg3[%sub3A_54, %dma_wait3A] : memref<144x1024xf32, #tpu.memory_space<hbm>> -> memref<16x1024xf32, #tpu.memory_space<hbm>>
          %dma_wait3A_80 = arith.constant 0 : i32
          %dma_wait3A_81 = tpu.memref_slice %arg3[%sub3A_54, %dma_wait3A_80] : memref<144x1024xf32, #tpu.memory_space<hbm>> -> memref<16x1024xf32, #tpu.memory_space<hbm>>
          tpu.wait_dma2 semaphore(%run_scoped3A : memref<!tpu.dma_semaphore, #tpu.memory_space<semaphore_mem>>) src(%dma_wait3A_81 : memref<16x1024xf32, #tpu.memory_space<hbm>>) dst(%arg6 : memref<16x1024xf32, #tpu.memory_space<vmem>>)
          tpu.yield
        }) : () -> ()
        "tpu.region"() ({
          %run_scoped3A = tpu.sem_alloc : memref<!tpu.dma_semaphore, #tpu.memory_space<semaphore_mem>>
          %dma_start3A = arith.constant 0 : i32
          %dma_start3A_76 = tpu.memref_slice %arg5[%select_n3A, %add3A_53, %dma_start3A] : memref<4x2176x1024xf32, #tpu.memory_space<hbm>> -> memref<1x16x1024xf32, #tpu.memory_space<hbm>>
          %dma_start3A_77 = tpu.memref_squeeze %dma_start3A_76 : memref<1x16x1024xf32, #tpu.memory_space<hbm>> -> memref<16x1024xf32, #tpu.memory_space<hbm>>
          %dma_start3A_78 = arith.constant 0 : i32
          %dma_start3A_79 = tpu.memref_slice %arg5[%select_n3A, %add3A_53, %dma_start3A_78] : memref<4x2176x1024xf32, #tpu.memory_space<hbm>> -> memref<1x16x1024xf32, #tpu.memory_space<hbm>>
          %dma_start3A_80 = tpu.memref_squeeze %dma_start3A_79 : memref<1x16x1024xf32, #tpu.memory_space<hbm>> -> memref<16x1024xf32, #tpu.memory_space<hbm>>
          tpu.enqueue_dma source(%arg6 : memref<16x1024xf32, #tpu.memory_space<vmem>>) target(%dma_start3A_80 : memref<16x1024xf32, #tpu.memory_space<hbm>>) target_semaphore(%run_scoped3A : memref<!tpu.dma_semaphore, #tpu.memory_space<semaphore_mem>>)
          %dma_wait3A = arith.constant 0 : i32
          %dma_wait3A_81 = tpu.memref_slice %arg5[%select_n3A, %add3A_53, %dma_wait3A] : memref<4x2176x1024xf32, #tpu.memory_space<hbm>> -> memref<1x16x1024xf32, #tpu.memory_space<hbm>>
          %dma_wait3A_82 = tpu.memref_squeeze %dma_wait3A_81 : memref<1x16x1024xf32, #tpu.memory_space<hbm>> -> memref<16x1024xf32, #tpu.memory_space<hbm>>
          %dma_wait3A_83 = arith.constant 0 : i32
          %dma_wait3A_84 = tpu.memref_slice %arg5[%select_n3A, %add3A_53, %dma_wait3A_83] : memref<4x2176x1024xf32, #tpu.memory_space<hbm>> -> memref<1x16x1024xf32, #tpu.memory_space<hbm>>
          %dma_wait3A_85 = tpu.memref_squeeze %dma_wait3A_84 : memref<1x16x1024xf32, #tpu.memory_space<hbm>> -> memref<16x1024xf32, #tpu.memory_space<hbm>>
          tpu.wait_dma2 semaphore(%run_scoped3A : memref<!tpu.dma_semaphore, #tpu.memory_space<semaphore_mem>>) src(%arg6 : memref<16x1024xf32, #tpu.memory_space<vmem>>) dst(%dma_wait3A_85 : memref<16x1024xf32, #tpu.memory_space<hbm>>)
          tpu.yield
        }) : () -> ()
      } else {
      }
      %gt3A_71 = arith.constant 128 : i32
      %gt3A_72 = arith.cmpi sgt, %sub3A_54, %gt3A_71 : i32
      %convert_element_type3A_73 = arith.extui %gt3A_72 : i1 to i32
      %cond3A_74 = arith.constant 0 : i32
      %cond3A_75 = arith.cmpi ne, %convert_element_type3A_73, %cond3A_74 : i32
      scf.if %cond3A_75 {
        "tpu.region"() ({
          %run_scoped3A = tpu.sem_alloc : memref<!tpu.dma_semaphore, #tpu.memory_space<semaphore_mem>>
          %dma_start3A = arith.constant 0 : i32
          %dma_start3A_76 = tpu.memref_slice %arg5[%select_n3A, %add3A_53, %dma_start3A] : memref<4x2176x1024xf32, #tpu.memory_space<hbm>> -> memref<1x16x1024xf32, #tpu.memory_space<hbm>>
          %dma_start3A_77 = tpu.memref_squeeze %dma_start3A_76 : memref<1x16x1024xf32, #tpu.memory_space<hbm>> -> memref<16x1024xf32, #tpu.memory_space<hbm>>
          %dma_start3A_78 = arith.constant 0 : i32
          %dma_start3A_79 = tpu.memref_slice %arg5[%select_n3A, %add3A_53, %dma_start3A_78] : memref<4x2176x1024xf32, #tpu.memory_space<hbm>> -> memref<1x16x1024xf32, #tpu.memory_space<hbm>>
          %dma_start3A_80 = tpu.memref_squeeze %dma_start3A_79 : memref<1x16x1024xf32, #tpu.memory_space<hbm>> -> memref<16x1024xf32, #tpu.memory_space<hbm>>
          tpu.enqueue_dma source(%arg7 : memref<16x1024xf32, #tpu.memory_space<vmem>>) target(%dma_start3A_80 : memref<16x1024xf32, #tpu.memory_space<hbm>>) target_semaphore(%run_scoped3A : memref<!tpu.dma_semaphore, #tpu.memory_space<semaphore_mem>>)
          %dma_wait3A = arith.constant 0 : i32
          %dma_wait3A_81 = tpu.memref_slice %arg5[%select_n3A, %add3A_53, %dma_wait3A] : memref<4x2176x1024xf32, #tpu.memory_space<hbm>> -> memref<1x16x1024xf32, #tpu.memory_space<hbm>>
          %dma_wait3A_82 = tpu.memref_squeeze %dma_wait3A_81 : memref<1x16x1024xf32, #tpu.memory_space<hbm>> -> memref<16x1024xf32, #tpu.memory_space<hbm>>
          %dma_wait3A_83 = arith.constant 0 : i32
          %dma_wait3A_84 = tpu.memref_slice %arg5[%select_n3A, %add3A_53, %dma_wait3A_83] : memref<4x2176x1024xf32, #tpu.memory_space<hbm>> -> memref<1x16x1024xf32, #tpu.memory_space<hbm>>
          %dma_wait3A_85 = tpu.memref_squeeze %dma_wait3A_84 : memref<1x16x1024xf32, #tpu.memory_space<hbm>> -> memref<16x1024xf32, #tpu.memory_space<hbm>>
          tpu.wait_dma2 semaphore(%run_scoped3A : memref<!tpu.dma_semaphore, #tpu.memory_space<semaphore_mem>>) src(%arg7 : memref<16x1024xf32, #tpu.memory_space<vmem>>) dst(%dma_wait3A_85 : memref<16x1024xf32, #tpu.memory_space<hbm>>)
          tpu.yield
        }) : () -> ()
      } else {
      }
    }
    %scan3A_49 = arith.constant 17 : i32
    return
  }
}

module attributes {stable_mosaic.version = 14 : i64} {
  func.func @_mlp_body(%arg0: memref<128x1024xf32, #tpu.memory_space<vmem>>, %arg1: memref<1024x1024xf32, #tpu.memory_space<vmem>>, %arg2: memref<1x1024xf32, #tpu.memory_space<vmem>>, %arg3: memref<1024x1024xf32, #tpu.memory_space<vmem>>, %arg4: memref<1x1024xf32, #tpu.memory_space<vmem>>, %arg5: memref<144x1024xf32, #tpu.memory_space<vmem>>) attributes {dimension_semantics = [], scalar_prefetch = 0 : i64, scratch_operands = 0 : i64, tpu.core_type = #tpu.core_type<tc>} {
    %get3A = arith.constant 0 : index
    %get3A_0 = arith.constant 0 : index
    %get3A_1 = vector.load %arg0[%get3A, %get3A_0] : memref<128x1024xf32, #tpu.memory_space<vmem>>, vector<128x1024xf32>
    %get3A_2 = arith.constant 0 : index
    %get3A_3 = arith.constant 0 : index
    %get3A_4 = vector.load %arg1[%get3A_2, %get3A_3] : memref<1024x1024xf32, #tpu.memory_space<vmem>>, vector<1024x1024xf32>
    %dot_general3A = arith.constant dense<0.000000e+00> : vector<128x1024xf32>
    %dot_general3A_5 = tpu.matmul %get3A_1, %get3A_4, %dot_general3A {dimension_numbers = #tpu.dot_dimension_numbers<[1], [0], [0], [1], [0, 0, 1, 1], [], []>, transpose_lhs_hint = false} : vector<128x1024xf32>, vector<1024x1024xf32>, vector<128x1024xf32> -> vector<128x1024xf32>
    %get3A_6 = arith.constant 0 : index
    %get3A_7 = arith.constant 0 : index
    %get3A_8 = vector.load %arg2[%get3A_6, %get3A_7] : memref<1x1024xf32, #tpu.memory_space<vmem>>, vector<1x1024xf32>
    %add3A = vector.broadcast %get3A_8 : vector<1x1024xf32> to vector<128x1024xf32>
    %add3A_9 = arith.addf %dot_general3A_5, %add3A : vector<128x1024xf32>
    %tanh3A = math.tanh %add3A_9 : vector<128x1024xf32>
    %get3A_10 = arith.constant 0 : index
    %get3A_11 = arith.constant 0 : index
    %get3A_12 = vector.load %arg3[%get3A_10, %get3A_11] : memref<1024x1024xf32, #tpu.memory_space<vmem>>, vector<1024x1024xf32>
    %dot_general3A_13 = arith.constant dense<0.000000e+00> : vector<128x1024xf32>
    %dot_general3A_14 = tpu.matmul %tanh3A, %get3A_12, %dot_general3A_13 {dimension_numbers = #tpu.dot_dimension_numbers<[1], [0], [0], [1], [0, 0, 1, 1], [], []>, transpose_lhs_hint = false} : vector<128x1024xf32>, vector<1024x1024xf32>, vector<128x1024xf32> -> vector<128x1024xf32>
    %get3A_15 = arith.constant 0 : index
    %get3A_16 = arith.constant 0 : index
    %get3A_17 = vector.load %arg4[%get3A_15, %get3A_16] : memref<1x1024xf32, #tpu.memory_space<vmem>>, vector<1x1024xf32>
    %add3A_18 = vector.broadcast %get3A_17 : vector<1x1024xf32> to vector<128x1024xf32>
    %add3A_19 = arith.addf %dot_general3A_14, %add3A_18 : vector<128x1024xf32>
    %swap3A = arith.constant 0 : index
    %swap3A_20 = arith.constant 0 : index
    %swap3A_21 = vector.load %arg5[%swap3A, %swap3A_20] : memref<144x1024xf32, #tpu.memory_space<vmem>>, vector<128x1024xf32>
    tpu.vector_store %arg5[%swap3A, %swap3A_20], %add3A_19 {strides = array<i32>} : memref<144x1024xf32, #tpu.memory_space<vmem>>, vector<128x1024xf32>,
    %broadcast_in_dim3A = arith.constant 0.000000e+00 : f32
    %broadcast_in_dim3A_22 = vector.broadcast %broadcast_in_dim3A : f32 to vector<16x1024xf32>
    %swap3A_23 = arith.constant 128 : index
    %swap3A_24 = arith.constant 0 : index
    %swap3A_25 = vector.load %arg5[%swap3A_23, %swap3A_24] : memref<144x1024xf32, #tpu.memory_space<vmem>>, vector<16x1024xf32>
    tpu.vector_store %arg5[%swap3A_23, %swap3A_24], %broadcast_in_dim3A_22 {strides = array<i32>} : memref<144x1024xf32, #tpu.memory_space<vmem>>, vector<16x1024xf32>,
    return
  }
}

</mosaic_0001>

<sc_bundles>
// kernel: kernel.4.cloned.1.call-start
scs
__scs_entry_jumppad:
0x0: {  	(pc) =	sbr.rel $0x88, $3  }
0x1: {  	(tag) =	ssettag $0x0;
	lr =	simm.s32 $0x1  }
0x2: {  	[smem:$0x3F9A] =	sst lr;
	_ =	strace $0xD0000000  }
0x3: {  	_ = 	snop  }
0x4: {  	_ = 	snop  }
0x5: {  	_ = 	snop  }
0x6: {  	_ = 	snop  }
0x7: {  	_ = 	snop  }
__scs_overlays_trampoline_lowered:
0x8: {  	[smem:$0x3FA9] =	sst s0  }
0x9: {  	[smem:$0x3FAA] =	sst s1  }
0xa: {  	[smem:$0x3FAB] =	sst s2  }
0xb: {  	[smem:$0x3FAC] =	sst s3  }
0xc: {  	[smem:$0x3FAD] =	sst s4  }
0xd: {  	[smem:$0x3FAE] =	sst s5  }
0xe: {  	[smem:$0x3FAF] =	sst s6  }
0xf: {  	[smem:$0x3FB0] =	sst s7  }
0x10: {  	[smem:$0x3FB1] =	sst s8  }
0x11: {  	[smem:$0x3FB2] =	sst s9;
	s0 =	simm.s32 @!p0 $0x0  }
0x12: {  	s1 =	sld [smem:$0x3F98];
	s0 =	simm.s32 @p0 $0x1  }
0x13: {  	[smem:$0x3FB3] =	sst s0;
	s0 =	simm.s32 @!p1 $0x0  }
0x14: {  	s2 =	sld [smem:$0x3F97];
	s0 =	simm.s32 @p1 $0x1  }
0x15: {  	[smem:$0x3FB4] =	sst s0;
	s0 =	simm.s32 @!p2 $0x0  }
0x16: {  	s3 =	sld [smem:$0x3FDB];
	s0 =	simm.s32 @p2 $0x1  }
0x17: {  	s4 =	simm.s32 $0x1BF5;
	[smem:$0x3FB6] =	sst s0  }
0x18: {  	s0 =	sld [smem:$0x3F99];
	_ =	swait.ge [sflag:s4], $0x0  }
0x19: {  	s7 =	sld [smem:$0x3F9A]  }
0x1a: {  	s8 =	sadd.s32 $0xFFFFE003, lr  }
0x1b: {  	s9 =	sadd.s32 $0xFFFFFEF7, lr;
	s5 =	simm.s32 $0xFFFFFFFF;
	p2 =	slt.u32 s8, $0xFFFFF086  }
0x1c: {  	p1 =	slt.u32 s9, $0xF7A;
	s5 =	simm.s32 @!p2 $0x0  }
0x1d: {  	s5 =	simm.s32 @p1 $0x1;
	p0 =	seq.s32 s7, s2  }
0x1e: {  	s7 =	smul.u32 @!p0 $0xF7A, s2;
	p2 =	seq.s32 @!p0 s5, $0x0  }
0x1f: {  	s9 =	smul.u32 $0xF7A, s1;
	s8 =	simm.s32 @!p0 $0x1BF5;
	p2 =	por !p2, p0  }
0x20: {  	[sflag:s8] =	ssyncset.s32 @!p0 $0xFFFFF086;
	s6 =	sadd.s32 @!p0 s3, s7;
	s7 =	simm.s32 @!p0 $0x108  }
0x21: {  	s3 =	sadd.s32 s3, s9;
	s6 =	sadd.s32 @!p0 $0x88, s6;
	s7 =	simm.s32 @p2 $0x1082  }
0x22: {  	[simem:s7], [sflag:s8] =	dma.local @!p0 [hbm:s6], $0xF7A  }
0x23: {  	s9 =	sor.u32 $0xD0000000, s2;
	s6 =	simm.s32 $0x108;
	_ =	swait.ge @!p0 [sflag:s8], $0x0  }
0x24: {  	s3 =	sadd.s32 $0x88, s3;
	s6 =	simm.s32 @!p1 $0x1082;
	[sflag:s4] =	ssyncset.s32 $0xFFFFF086  }
0x25: {  	[simem:s6], [sflag:s4] =	dma.local [hbm:s3], $0xF7A  }
0x26: {  	[smem:$0x3F9A] =	sst s1;
	(tag) =	ssettag s2;
	_ =	strace s9  }
0x27: {  	s1 =	sld [smem:$0x3FAA]  }
0x28: {  	s2 =	sld [smem:$0x3FAB]  }
0x29: {  	s4 =	sld [smem:$0x3FAD]  }
0x2a: {  	p0 =	seq.s32 s5, $0x0;
	s5 =	sld [smem:$0x3FAE]  }
0x2b: {  	s6 =	sld [smem:$0x3FAF]  }
0x2c: {  	s7 =	sld [smem:$0x3FB0]  }
0x2d: {  	s3 =	simm.s32 $0x108;
	s8 =	sld [smem:$0x3FB1]  }
0x2e: {  	s3 =	simm.s32 @!p0 $0x1082;
	s9 =	sld [smem:$0x3FB2]  }
0x2f: {  	lr =	sadd.s32 s0, s3;
	s0 =	sld [smem:$0x3FA9]  }
0x30: {  	s3 =	sld [smem:$0x3FAC]  }
0x31: {  	[smem:$0x3FB5] =	sst s10  }
0x32: {  	s10 =	sld [smem:$0x3FB3];
	_ =	sdelay $0x3  }
0x33: {  	p0 =	seq.s32 s10, $0x1;
	s10 =	sld [smem:$0x3FB5];
	_ =	sdelay $0x3  }
0x34: {  	[smem:$0x3FB5] =	sst s10  }
0x35: {  	s10 =	sld [smem:$0x3FB4];
	_ =	sdelay $0x3  }
0x36: {  	p1 =	seq.s32 s10, $0x1;
	s10 =	sld [smem:$0x3FB5];
	_ =	sdelay $0x3  }
0x37: {  	[smem:$0x3FB5] =	sst s10  }
0x38: {  	s10 =	sld [smem:$0x3FB6]  }
0x39: {  	_ = 	snop;
	(pc) =	sbr.ind lr, $3  }
0x3a: {  	_ = 	snop  }
0x3b: {  	_ = 	snop  }
0x3c: {  	p2 =	seq.s32 s10, $0x1;
	s10 =	sld [smem:$0x3FB5]  }
0x3d: {  	_ =	shalt  }
0x3e: {  	_ =	shalt  }
0x3f: {  	_ =	shalt  }
0x40: {  	_ =	shalt  }
0x41: {  	_ =	shalt  }
0x42: {  	_ =	shalt  }
0x43: {  	_ =	shalt  }
0x44: {  	_ =	shalt  }
0x45: {  	_ =	shalt  }
0x46: {  	_ =	shalt  }
0x47: {  	_ =	shalt  }
0x48: {  	_ =	shalt  }
0x49: {  	_ =	shalt  }
0x4a: {  	_ =	shalt  }
0x4b: {  	_ =	shalt  }
0x4c: {  	_ =	shalt  }
0x4d: {  	_ =	shalt  }
0x4e: {  	_ =	shalt  }
0x4f: {  	_ =	shalt  }
0x50: {  	_ =	shalt  }
0x51: {  	_ =	shalt  }
0x52: {  	_ =	shalt  }
0x53: {  	_ =	shalt  }
0x54: {  	_ =	shalt  }
0x55: {  	_ =	shalt  }
0x56: {  	_ =	shalt  }
0x57: {  	_ =	shalt  }
0x58: {  	_ =	shalt  }
0x59: {  	_ =	shalt  }
0x5a: {  	_ =	shalt  }
0x5b: {  	_ =	shalt  }
0x5c: {  	_ =	shalt  }
0x5d: {  	_ =	shalt  }
0x5e: {  	_ =	shalt  }
0x5f: {  	_ =	shalt  }
0x60: {  	_ =	shalt  }
0x61: {  	_ =	shalt  }
0x62: {  	_ =	shalt  }
0x63: {  	_ =	shalt  }
0x64: {  	_ =	shalt  }
0x65: {  	_ =	shalt  }
0x66: {  	_ =	shalt  }
0x67: {  	_ =	shalt  }
0x68: {  	_ =	shalt  }
0x69: {  	_ =	shalt  }
0x6a: {  	_ =	shalt  }
0x6b: {  	_ =	shalt  }
0x6c: {  	_ =	shalt  }
0x6d: {  	_ =	shalt  }
0x6e: {  	_ =	shalt  }
0x6f: {  	_ =	shalt  }
0x70: {  	_ =	shalt  }
0x71: {  	_ =	shalt  }
0x72: {  	_ =	shalt  }
0x73: {  	_ =	shalt  }
0x74: {  	_ =	shalt  }
0x75: {  	_ =	shalt  }
0x76: {  	_ =	shalt  }
0x77: {  	_ =	shalt  }
0x78: {  	_ =	shalt  }
0x79: {  	_ =	shalt  }
0x7a: {  	_ =	shalt  }
0x7b: {  	_ =	shalt  }
0x7c: {  	_ =	shalt  }
0x7d: {  	_ =	shalt  }
0x7e: {  	_ =	shalt  }
0x7f: {  	_ =	shalt  }
0x80: {  	_ =	shalt  }
0x81: {  	_ =	shalt  }
0x82: {  	_ =	shalt  }
0x83: {  	_ =	shalt  }
0x84: {  	_ =	shalt  }
0x85: {  	_ =	shalt  }
0x86: {  	_ =	shalt  }
0x87: {  	_ =	shalt  }
.Lfunc_end0:
.L_simem_size_0:
called_computation.1_lowered:
.L_overlay_start_0:
0x88: {  	s2 =	sld [smem:$0x3FD9]  }
0x89: {  	s3 =	sld [smem:$0x3FFE];
	_ =	sdelay $0x1  }
0x8a: {  	s1 =	srdreg.scid  }
0x8b: {  	s0 =	sand.u32 $0x1, s1  }
0x8c: {  	s14 =	sshll.u32 s0, $0xA;
	s2 =	sadd.s32 s3, s2  }
0x8d: {  	s2 =	sadd.s32 s2, s14  }
0x8e: {  	[smem:$0x3FC1] =	sst s2  }
0x8f: {  	_ = 	snop  }
0x90: {  	s2 =	sld [smem:$0x3FD0];
	_ =	sdelay $0x2  }
0x91: {  	s15 =	simm.s32 $0xA;
	s4 =	simm.s32 $0x10  }
0x92: {  	[smem:s4], [sflag:s15] =	dma.local [hbm:s2], $0x1  }
0x93: {  	_ =	swait.eq [sflag:s15], $0x1  }
0x94: {  	[sflag:s15] =	ssyncset.done $0x0  }
0x95: {  	[sflag:s15] =	ssyncadd.s32 $0xFFFFFFFF  }
0x96: {  	s16 =	sld [smem:$0x10];
	(tm) =	ssettm $0x1  }
0x97: {  	s17 =	sld [smem:$0x3FFB];
	_ =	sdelay $0x3  }
0x98: {  	_ =	strace s17  }
0x99: {  	s3 =	sld [smem:$0x3FFC];
	_ =	sdelay $0x3  }
0x9a: {  	_ =	strace s3  }
0x9b: {  	s3 =	sld [smem:$0x3FFD];
	_ =	sdelay $0x3  }
0x9c: {  	_ =	strace s3  }
0x9d: {  	_ =	strace $0x8FFFFFFF  }
0x9e: {  	s18 =	sld [smem:$0x3FDB];
	_ =	sdelay $0x1  }
0x9f: {  	s19 =	simm.s32 $_scs_section_size  }
0xa0: {  	s5 =	simm.s32 $_size__tile_overlayer_lowered;
	s6 =	simm.s32 $_tile_overlayer_lowered  }
0xa1: {  	s22 =	simm.s32 $0x1BFF;
	s21 =	sshll.u32 s6, $0x1;
	s3 =	sadd.s32 s19, s18  }
0xa2: {  	s7 =	simm.s32 $0x0;
	s20 =	sshll.u32 s5, $0x1;
	s5 =	sadd.s32 s21, s3  }
0xa3: {  	[timem:s7], [sflag:s22] =	dma.local [hbm:s5], s20  }
0xa4: {  	_ =	swait.ge [sflag:s22], s20  }
0xa5: {  	s4 =	ssub.s32 $0x0, s20;
	[sflag:s22] =	ssyncset.done $0x0  }
0xa6: {  	[sflag:s22] =	ssyncadd.s32 s4;
	_ =	sdelay $0x1  }
0xa7: {  	s23 =	simm.s32 $0x1B8B  }
0xa8: {  	_ =	swait.ge [sflag:s23], $0x1  }
0xa9: {  	[sflag:s23] =	ssyncset.done $0x0  }
0xaa: {  	s25 =	simm.s32 $0x1B8E;
	s24 =	sld [smem:$0x3FFE];
	[sflag:s23] =	ssyncadd.s32 $0xFFFFFFFF  }
0xab: {  	s26 =	simm.s32 $execute0_lowered;
	[smem:$0x3FD2] =	sst s25  }
0xac: {  	s5 =	sshll.u32 s26, $0x1;
	_ =	strace $0x80000049;
	[dreg:$0x1] =	wrdreg $0xFFFFFFFF  }
0xad: {  	s28 =	simm.s32 $_size_execute0_lowered;
	s3 =	sadd.s32 s3, s5;
	[dreg:$0x0] =	wrdreg $0x0  }
0xae: {  	s5 =	sshll.u32 s28, $0x1;
	[dreg:$0x2] =	wrdreg s3  }
0xaf: {  	[dreg:$0x3] =	wrdreg s5  }
0xb0: {  	[dreg:$0x4] =	wrdreg $0xC0  }
0xb1: {  	_ =	task [dreg:s7], $0x5FFFF  }
0xb2: {  	[dreg:$0x1] =	wrdreg $0xFFFFFFFF  }
0xb3: {  	[dreg:$0x0] =	wrdreg $0x60  }
0xb4: {  	[dreg:$0x2] =	wrdreg s16  }
0xb5: {  	[dreg:$0x3] =	wrdreg s24  }
0xb6: {  	[dreg:$0x4] =	wrdreg $0x9  }
0xb7: {  	_ =	task.clear_ibuf [dreg:s7], $0x5FFFF;
	_ =	strace $0x90000049  }
0xb8: {  	s29 =	simm.s32 $0x9;
	_ =	strace $0x8000004B  }
0xb9: {  	_ =	swait.ge [sflag:s29], $0x1  }
0xba: {  	[sflag:s29] =	ssyncadd.s32 $0xFFFFFFFF  }
0xbb: {  	_ =	strace $0x9000004B  }
0xbc: {  	_ =	sfence  }
0xbd: {  	s30 =	sld [smem:$0x0];
	_ =	sdelay $0x2  }
0xbe: {  	s31 =	sshll.u32 s1, $0xD;
	s1 =	sshrl.u32 s1, $0x2  }
0xbf: {  	s3 =	sand.u32 $0x4000, s31;
	s1 =	sadd.s32 s1, s30  }
0xc0: {  	s0 =	sor.u32 s3, s0;
	s1 =	sshll.u32 s1, $0x11  }
0xc1: {  	s0 =	sor.u32 s1, s0  }
0xc2: {  	s0 =	sadd.s32 $0x8F2B, s0  }
0xc3: {  	[sflag:s0] =	ssyncadd.remote.s32 $0x1  }
0xc4: {  	_ =	sfence.sel $0xFFFF  }
0xc5: {  	[dreg:$0x0] =	wrdreg $0xFFFFFFFF;
	(pc) =	sbr.abs _section_cstart, $3  }
0xc6: {  	[dreg:$0x1] =	wrdreg $0xFFFFFFFF  }
0xc7: {  	_ =	task.clear_ibuf [dreg:s7], $0x2FFFF;
	_ =	strace $0x9FFFFFFF  }
0xc8: {  	(tm) =	ssettm $0x7FFFFFFF  }
0xc9: {  	_ =	shalt  }
tec
execute0_lowered:
.L_overlay_start_1:
0x0: {  	(tag) =	ssettag $0x1  }
0x1: {  	s2 =	rddreg [dreg:$0x0]  }
0x2: {  	s9 =	rddreg [dreg:$0x1];
	s1 =	stileid.u32  }
0x3: {  	s3 =	simm.s32 $0x0;
	s4 =	srdreg.scid;
	s5 =	sshll.u32 s1, $0x1  }
0x4: {  	[smem:$0x7FF] =	sst s3;
	s11 =	sand.u32 $0x1, s4;
	s13 =	sshrl.u32 s1, $0x2  }
0x5: {  	s4 =	sadd.s32 $0x1400, s9;
	s12 =	sand.u32 $0x3, s1;
	s6 =	smul.u32 $0x220000, s13  }
0x6: {  	s7 =	sadd.s32 $0x5C00, s9;
	s8 =	sadd.s32 $0x5E00, s9;
	s15 =	smul.u32 $0x220, s12  }
0x7: {  	s9 =	sadd.s32 $0x5400, s9;
	s30 =	sand.u32 $0x6, s5;
	s16 =	smul.u32 $0x110, s11  }
0x8: {  	_ =	strace $0x8000004A;
	s10 =	ssub.s32 $0x2, s11;
	s18 =	smul.u32 $0x11000, s12  }
0x9: {  	s17 =	sshll.u32 s13, $0x12;
	s19 =	smul.u32 $0x8800, s11;
	s5 =	sor.u32 s11, s30  }
.Ltmp0:
0xa: {  	s14 =	sshrl.u32 s10, $0x1;
	s17 =	sadd.s32 s17, s2;
	(pc) =	sbr.rel .LBB2_1-.Ltmp0, $4  }
0xb: {  	s5 =	smul.u32 $0x110, s5;
	s14 =	ssub.s32 s10, s14;
	s10 =	sshll.u32 s13, $0x15  }
0xc: {  	s12 =	sadd.s32 s16, s15;
	s31 =	sadd.s32 s18, s17;
	s15 =	simm.s32 $0x1  }
0xd: {  	v1 =	vlaneseq.u32;
	v0 =	vmov s13;
	s16 =	simm.s32 $0x4000;
	s17 =	simm.s32 $0x2;
	s18 =	simm.s32 $0x0  }
0xe: {  	vm0 =	veq.s32 v0, v1;
	s11 =	smax.u32 s14, $0x1;
	s13 =	sadd.s32 s19, s31;
	s14 =	simm.s32 $0x8000  }
.LBB2_14:
0xf: {  	s18 =	sadd.s32 $0x1, s18  }
0x10: {  	p0 =	sne.s32 s18, s11  }
.Ltmp1:
0x11: {  	_ = 	snop;
	(pc) =	sbr.rel @!p0 .LBB2_15-.Ltmp1, $1  }
0x12: {  	_ =	sdelay $0x3  }
.LBB2_1:
0x13: {  	[tilespmem:s14], [sflag:$0x1] =	stream.linear.gather [hbm4b:s7+s3], $0x10, $0x38;
	[tilespmem:$0x8010] =	vst v63  }
0x14: {  	_ =	swait.ge [sflag:s15], $0x10  }
0x15: {  	[sflag:s15] =	ssyncset.done $0x0  }
0x16: {  	[sflag:s15] =	ssyncadd.s32 $0xFFFFFFF0  }
0x17: {  	[tilespmem:s16], [sflag:$0x1] =	stream.linear.gather [hbm4b:s9+s3], $0x4000, $0x38;
	[tilespmem:$0x8010] =	vst v63  }
0x18: {  	_ =	swait.ge [sflag:s15], $0x4000  }
0x19: {  	[sflag:s15] =	ssyncset.done $0x0  }
0x1a: {  	[sflag:s15] =	ssyncadd.s32 $0xFFFFC000  }
0x1b: {  	v0 =	vld [tilespmem:$0x8000];
	_ =	sdelay $0x4  }
0x1c: {  	v0 =	vxor.u32 $0x80000000, v0  }
0x1d: {  	v0 =	vnsel vm0, $0x80000000, v0  }
0x1e: {  	(xrf0) =	vmax.scan.msk.u32 $0xffff, v0;
	_ =	sdelay $0x5  }
0x1f: {  	v0, _, _ =	vpop (xrf0)  }
0x20: {  	(v2sf) =	vpush v0, $0xF;
	_ =	sdelay $0xc  }
.Ltmp2:
0x21: {  	_ = 	snop;
	(pc) =	sbr.rel .LBB2_2-.Ltmp2, $4  }
0x22: {  	_ = 	snop  }
0x23: {  	s19 =	spop (v2sf)  }
0x24: {  	s21 =	smov.u32 s12;
	s22 =	smov.u32 s13;
	s20 =	ssub.s32 s12, s19  }
0x25: {  	s23 =	simm.s32 $0x0;
	s19 =	sxor.u32 $0x80000000, s19;
	s20 =	sshll.u32 s20, $0x7  }
.LBB2_3:
0x26: {  	s24 =	sshll.u32 s24, $0xA  }
0x27: {  	s25 =	sadd.s32 s10, s24  }
0x28: {  	s25 =	sshrl.u32 s25, $0x3  }
0x29: {  	s25 =	sadd.s32 s2, s25  }
0x2a: {  	[tilespmem:s3], [sflag:$0x2] =	stream.linear.gather [hbm4b:s25+s3], $0x4000, $0x38;
	[tilespmem:$0x8010] =	vst v63  }
0x2b: {  	s25 =	simm.s32 $0x2  }
0x2c: {  	s24 =	sadd.s32 s6, s24;
	_ =	swait.ge [sflag:s25], $0x4000  }
0x2d: {  	s24 =	sshrl.u32 s24, $0x3;
	[sflag:s25] =	ssyncset.done $0x0  }
0x2e: {  	s24 =	sadd.s32 s8, s24;
	[sflag:s25] =	ssyncadd.s32 $0xFFFFC000  }
0x2f: {  	[hbm4b:s24+s3] =	stream.linear.scatter [tilespmem:s3], [sflag:$0x2], $0x4000, $0x38;
	[tilespmem:$0x8010] =	vst v63  }
.LBB2_12:
0x30: {  	_ =	swait.ge [sflag:s25], $0x4000  }
0x31: {  	[sflag:s25] =	ssyncset.done $0x0  }
0x32: {  	[sflag:s25] =	ssyncadd.s32 $0xFFFFC000  }
.LBB2_13:
0x33: {  	s23 =	sadd.s32 $0x1, s23  }
0x34: {  	p0 =	sne.s32 s23, $0x11  }
.Ltmp3:
0x35: {  	_ = 	snop;
	(pc) =	sbr.rel @!p0 .LBB2_14-.Ltmp3, $2  }
0x36: {  	_ =	sdelay $0x2  }
0x37: {  	s20 =	sadd.s32 $0x800, s20;
	s22 =	sadd.s32 $0x800, s22;
	s21 =	sadd.s32 $0x10, s21  }
.LBB2_2:
0x38: {  	s24 =	sshll.u32 s23, $0x4  }
0x39: {  	s24 =	sadd.s32 s5, s24  }
0x3a: {  	s25 =	ssub.s32 s24, s19  }
0x3b: {  	p0 =	sgt.s32 s25, $0xFFFFFFF0  }
.Ltmp4:
0x3c: {  	_ = 	snop;
	(pc) =	sbr.rel @!p0 .LBB2_3-.Ltmp4, $1  }
0x3d: {  	_ =	sdelay $0x3  }
0x3e: {  	p0 =	slt.u32 s25, $0xFFFFFFF1  }
.Ltmp5:
0x3f: {  	_ = 	snop;
	(pc) =	sbr.rel @p0 .LBB2_8-.Ltmp5, $1  }
0x40: {  	_ =	sdelay $0x3  }
0x41: {  	p0 =	sge.s32 s21, s19  }
0x42: {  	s26 =	sadd.s32 @p0 $0x0, s20  }
0x43: {  	s28 =	sand.u32 @p0 $0x1FFFFF80, s26  }
0x44: {  	s29 =	simm.s32 @p0 $0x0;
	s26 =	simm.s32 $0x0;
	s28 =	sadd.s32 @p0 s4, s28  }
0x45: {  	[tilespmem:s26], [sflag:$0x3] =	stream.linear.gather @p0 [hbm4b:s28+s29], $0x400, $0x38;
	[tilespmem:$0x8010] =	vst v63  }
0x46: {  	s28 =	sadd.s32 @!p0 $0x0, s22;
	s29 =	simm.s32 @!p0 $0x0  }
0x47: {  	[tilespmem:s26], [sflag:$0x2] =	stream.linear.gather @!p0 [hbm4b:s28+s29], $0x400, $0x38;
	[tilespmem:$0x8010] =	vst v63  }
0x48: {  	s29 =	simm.s32 @!p0 $0x2  }
0x49: {  	s30 =	sadd.s32 $0x1, s21;
	s28 =	simm.s32 $0x80;
	s29 =	simm.s32 @p0 $0x3  }
.LBB2_6:
0x4a: {  	p0 =	sge.s32 s30, s19  }
0x4b: {  	_ =	swait.ge [sflag:s29], $0x400;
	s31 =	smov.u32 s28;
	s26 =	sadd.s32 $0x400, s26  }
0x4c: {  	s0 =	sadd.s32 @p0 s28, s20;
	[sflag:s29] =	ssyncset.done $0x0;
	s28 =	sadd.s32 $0x80, s28  }
0x4d: {  	s0 =	sand.u32 @p0 $0x1FFFFF80, s0;
	[sflag:s29] =	ssyncadd.s32 $0xFFFFFC00;
	p1 =	sne.s32 s28, $0x800  }
.Ltmp6:
0x4e: {  	s29 =	simm.s32 @p0 $0x0;
	s0 =	sadd.s32 @p0 s4, s0;
	(pc) =	sbr.rel @p1 .LBB2_6-.Ltmp6, $4  }
0x4f: {  	[tilespmem:s26], [sflag:$0x3] =	stream.linear.gather @p0 [hbm4b:s0+s29], $0x400, $0x38;
	[tilespmem:$0x8010] =	vst v63  }
0x50: {  	s30 =	sadd.s32 $0x1, s30;
	s29 =	simm.s32 @!p0 $0x2  }
0x51: {  	s0 =	sadd.s32 @!p0 s31, s22;
	s31 =	simm.s32 @!p0 $0x0;
	s29 =	simm.s32 @p0 $0x3  }
0x52: {  	[tilespmem:s26], [sflag:$0x2] =	stream.linear.gather @!p0 [hbm4b:s0+s31], $0x400, $0x38;
	[tilespmem:$0x8010] =	vst v63  }
0x53: {  	s0 =	sshll.u32 s24, $0xA  }
0x54: {  	_ =	swait.ge [sflag:s29], $0x400;
	s0 =	sadd.s32 s6, s0  }
0x55: {  	[sflag:s29] =	ssyncset.done $0x0;
	s0 =	sshrl.u32 s0, $0x3  }
0x56: {  	[sflag:s29] =	ssyncadd.s32 $0xFFFFFC00;
	s0 =	sadd.s32 s8, s0  }
0x57: {  	[hbm4b:s0+s3] =	stream.linear.scatter [tilespmem:s3], [sflag:$0x2], $0x4000, $0x38;
	[tilespmem:$0x8010] =	vst v63  }
0x58: {  	_ =	swait.ge [sflag:s17], $0x4000  }
0x59: {  	[sflag:s17] =	ssyncset.done $0x0  }
0x5a: {  	[sflag:s17] =	ssyncadd.s32 $0xFFFFC000  }
.LBB2_8:
0x5b: {  	p0 =	sgt.u32 s25, $0x80  }
.Ltmp7:
0x5c: {  	_ = 	snop;
	(pc) =	sbr.rel @p0 .LBB2_10-.Ltmp7, $1  }
0x5d: {  	_ =	sdelay $0x3  }
0x5e: {  	s0 =	sshll.u32 s25, $0x7  }
0x5f: {  	s0 =	sadd.s32 s4, s0  }
0x60: {  	[tilespmem:s3], [sflag:$0x2] =	stream.linear.gather [hbm4b:s0+s3], $0x4000, $0x38;
	[tilespmem:$0x8010] =	vst v63  }
.Ltmp8:
0x61: {  	s25 =	simm.s32 $0x2;
	s31 =	sshll.u32 s24, $0xA;
	(pc) =	sbr.rel .LBB2_12-.Ltmp8, $4  }
0x62: {  	s0 =	sadd.s32 s6, s31;
	_ =	swait.ge [sflag:s25], $0x4000  }
0x63: {  	s0 =	sshrl.u32 s0, $0x3;
	[sflag:s25] =	ssyncset.done $0x0  }
0x64: {  	s0 =	sadd.s32 s8, s0;
	[sflag:s25] =	ssyncadd.s32 $0xFFFFC000  }
0x65: {  	[hbm4b:s0+s3] =	stream.linear.scatter [tilespmem:s3], [sflag:$0x2], $0x4000, $0x38;
	[tilespmem:$0x8010] =	vst v63  }
.LBB2_10:
0x66: {  	p0 =	slt.s32 s25, $0x81  }
.Ltmp9:
0x67: {  	_ = 	snop;
	(pc) =	sbr.rel @p0 .LBB2_13-.Ltmp9, $1  }
0x68: {  	_ =	sdelay $0x3  }
.Ltmp10:
0x69: {  	s0 =	sshll.u32 s24, $0xA;
	(pc) =	sbr.rel .LBB2_12-.Ltmp10, $4  }
0x6a: {  	s0 =	sadd.s32 s6, s0  }
0x6b: {  	s0 =	sshrl.u32 s0, $0x3  }
0x6c: {  	s25 =	simm.s32 $0x1;
	s0 =	sadd.s32 s8, s0  }
0x6d: {  	[hbm4b:s0+s3] =	stream.linear.scatter [tilespmem:s16], [sflag:$0x1], $0x4000, $0x38;
	[tilespmem:$0x8010] =	vst v63  }
.LBB2_15:
0x6e: {  	_ =	sfence.sel $0x180000  }
0x6f: {  	[bflag:$0x0] =	sbarrier.arrive $0xFFFF  }
0x70: {  	_ =	strace $0x9000004A  }
0x71: {  	[bflag:$0x2] =	sbarrier.arrive $0xFFFF  }
0x72: {  	p0 =	sne.s32 s1, $0x0;
	s0 =	rddreg [dreg:$0x2]  }
0x73: {  	s0 =	sadd.s32 @!p0 $0x100000, s0  }
0x74: {  	[sflag:s0] =	ssyncadd.tile.s32 @!p0 $0x1;
	_ =	shalt  }
.Lfunc_end2:
_tile_overlayer_lowered:
.L_overlay_start_2:
0x75: {  	(tag) =	ssettag $0x2  }
0x76: {  	s0 =	rddreg [dreg:$0x0];
	s2 =	stileid.u32  }
0x77: {  	s1 =	rddreg [dreg:$0x1];
	p0 =	sne.s32 s2, $0x0  }
0x78: {  	s3 =	rddreg [dreg:$0x2];
	[bflag:$0x3] =	sbarrier.arrive $0xFFFF;
	s2 =	simm.s32 @!p0 $0x1C01  }
0x79: {  	[timem:s3], [sflag:s2] =	dma.local @!p0 [hbm:s0], s1  }
0x7a: {  	s0 =	simm.s32 @!p0 $0x1  }
0x7b: {  	_ =	swait.ge @!p0 [sflag:s0], s1  }
0x7c: {  	s1 =	ssub.s32 @!p0 $0x0, s1;
	[sflag:s0] =	ssyncset.done @!p0 $0x0  }
0x7d: {  	[sflag:s0] =	ssyncadd.s32 @!p0 s1  }
0x7e: {  	[bflag:$0x3] =	sbarrier.arrive $0xFFFF  }
0x7f: {  	_ =	shalt  }

// kernel: sparse-core-data-format-call.cloned.1.call-start
scs
called_computation_lowered:
.L_overlay_start_0:
0x0: {  	s2 =	sld [smem:$0x3FD9]  }
0x1: {  	s3 =	sld [smem:$0x3FFE];
	_ =	sdelay $0x1  }
0x2: {  	s1 =	srdreg.scid  }
0x3: {  	s0 =	sand.u32 $0x1, s1  }
0x4: {  	s16 =	sshll.u32 s0, $0xA;
	s2 =	sadd.s32 s3, s2  }
0x5: {  	s2 =	sadd.s32 s2, s16  }
0x6: {  	[smem:$0x3FC1] =	sst s2  }
0x7: {  	_ = 	snop  }
0x8: {  	s2 =	sld [smem:$0x3FD0];
	_ =	sdelay $0x2  }
0x9: {  	s4 =	simm.s32 $0xA;
	s5 =	simm.s32 $0x10;
	s17 =	sld [smem:$0x3FC9]  }
0xa: {  	[smem:s5], [sflag:s4] =	dma.local [hbm:s2], $0x1  }
0xb: {  	_ =	swait.eq [sflag:s4], $0x1  }
0xc: {  	[sflag:s4] =	ssyncset.done $0x0  }
0xd: {  	[sflag:s4] =	ssyncadd.s32 $0xFFFFFFFF  }
0xe: {  	s18 =	sld [smem:$0x10];
	(tm) =	ssettm $0x1  }
0xf: {  	s19 =	sld [smem:$0x3FFB];
	_ =	sdelay $0x3  }
0x10: {  	_ =	strace s19  }
0x11: {  	s4 =	sld [smem:$0x3FFC];
	_ =	sdelay $0x3  }
0x12: {  	_ =	strace s4  }
0x13: {  	s4 =	sld [smem:$0x3FFD];
	_ =	sdelay $0x3  }
0x14: {  	_ =	strace s4  }
0x15: {  	_ =	strace $0x8FFFFFFF  }
0x16: {  	s20 =	sld [smem:$0x3FDB];
	_ =	sdelay $0x1  }
0x17: {  	s21 =	simm.s32 $_scs_section_size  }
0x18: {  	s6 =	simm.s32 $_size__tile_overlayer_lowered;
	s7 =	simm.s32 $_tile_overlayer_lowered  }
0x19: {  	s24 =	simm.s32 $0x1BFF;
	s23 =	sshll.u32 s7, $0x1;
	s4 =	sadd.s32 s21, s20  }
0x1a: {  	s8 =	simm.s32 $0x0;
	s22 =	sshll.u32 s6, $0x1;
	s6 =	sadd.s32 s23, s4  }
0x1b: {  	[timem:s8], [sflag:s24] =	dma.local [hbm:s6], s22  }
0x1c: {  	_ =	swait.ge [sflag:s24], s22  }
0x1d: {  	s5 =	ssub.s32 $0x0, s22;
	[sflag:s24] =	ssyncset.done $0x0  }
0x1e: {  	[sflag:s24] =	ssyncadd.s32 s5;
	_ =	sdelay $0x1  }
0x1f: {  	s25 =	simm.s32 $0x1B8B  }
0x20: {  	_ =	swait.ge [sflag:s25], $0x1  }
0x21: {  	[sflag:s25] =	ssyncset.done $0x0  }
0x22: {  	s26 =	simm.s32 $0x1B8E;
	[sflag:s25] =	ssyncadd.s32 $0xFFFFFFFF  }
0x23: {  	s27 =	simm.s32 $execute0_lowered;
	[smem:$0x3FD2] =	sst s26  }
0x24: {  	s5 =	sshll.u32 s27, $0x1;
	_ =	strace $0x80000046;
	[dreg:$0x1] =	wrdreg $0xFFFFFFFF  }
0x25: {  	s28 =	simm.s32 $_size_execute0_lowered;
	s4 =	sadd.s32 s4, s5;
	[dreg:$0x0] =	wrdreg $0x0  }
0x26: {  	s5 =	sshll.u32 s28, $0x1;
	[dreg:$0x2] =	wrdreg s4  }
0x27: {  	[dreg:$0x3] =	wrdreg s5  }
0x28: {  	[dreg:$0x4] =	wrdreg $0xC0  }
0x29: {  	_ =	task [dreg:s8], $0x5FFFF  }
0x2a: {  	[dreg:$0x1] =	wrdreg $0xFFFFFFFF  }
0x2b: {  	[dreg:$0x0] =	wrdreg $0x60  }
0x2c: {  	[dreg:$0x2] =	wrdreg s17  }
0x2d: {  	[dreg:$0x3] =	wrdreg s18  }
0x2e: {  	[dreg:$0x4] =	wrdreg $0x9  }
0x2f: {  	_ =	task.clear_ibuf [dreg:s8], $0x5FFFF;
	_ =	strace $0x90000046  }
0x30: {  	s29 =	simm.s32 $0x9;
	_ =	strace $0x80000048  }
0x31: {  	_ =	swait.ge [sflag:s29], $0x1  }
0x32: {  	[sflag:s29] =	ssyncadd.s32 $0xFFFFFFFF  }
0x33: {  	_ =	strace $0x90000048  }
0x34: {  	_ =	sfence  }
0x35: {  	s30 =	sld [smem:$0x0];
	_ =	sdelay $0x2  }
0x36: {  	s31 =	sshll.u32 s1, $0xD;
	s1 =	sshrl.u32 s1, $0x2  }
0x37: {  	s3 =	sand.u32 $0x4000, s31;
	s1 =	sadd.s32 s1, s30  }
0x38: {  	s0 =	sor.u32 s3, s0;
	s1 =	sshll.u32 s1, $0x11  }
0x39: {  	s0 =	sor.u32 s1, s0  }
0x3a: {  	s0 =	sadd.s32 $0x8F2B, s0  }
0x3b: {  	[sflag:s0] =	ssyncadd.remote.s32 $0x1  }
0x3c: {  	_ =	sfence.sel $0xFFFF  }
0x3d: {  	[dreg:$0x0] =	wrdreg $0xFFFFFFFF;
	(pc) =	sbr.abs _section_cstart, $3  }
0x3e: {  	[dreg:$0x1] =	wrdreg $0xFFFFFFFF  }
0x3f: {  	_ =	task.clear_ibuf [dreg:s8], $0x2FFFF;
	_ =	strace $0x9FFFFFFF  }
0x40: {  	(tm) =	ssettm $0x7FFFFFFF  }
0x41: {  	_ =	shalt  }
tec
execute0_lowered:
.L_overlay_start_1:
0x0: {  	(tag) =	ssettag $0x1  }
0x1: {  	s0 =	srdreg.scid  }
0x2: {  	s1 =	sshll.u32 s0, $0x4  }
0x3: {  	s2 =	rddreg [dreg:$0x0];
	s0 =	stileid.u32;
	s1 =	sand.u32 $0x10, s1  }
0x4: {  	s4 =	rddreg [dreg:$0x1];
	s1 =	sor.u32 s0, s1  }
0x5: {  	s7 =	simm.s32 $0x1;
	s8 =	simm.s32 $0x2;
	s3 =	sshll.u32 s1, $0x1  }
0x6: {  	s9 =	simm.s32 $0x0;
	s12 =	simm.s32 $0x0;
	s6 =	ssub.s32 $0x400, s3  }
.Ltmp0:
0x7: {  	s11 =	simm.s32 $0x0;
	s5 =	sand.u32 $0x3E, s6;
	(pc) =	sbr.rel .LBB1_1-.Ltmp0, $4  }
0x8: {  	s1 =	rddreg [dreg:$0x2];
	_ =	strace $0x80000047;
	p0 =	sne.s32 s5, $0x0  }
0x9: {  	s6 =	sshrl.u32 s6, $0x6;
	s5 =	simm.s32 $0x1;
	s7 =	simm.s32 @!p0 $0x0  }
0xa: {  	s10 =	smov.u32 s3;
	[sflag:s5] =	ssyncpa.u1 $0x0;
	s6 =	sadd.s32 s7, s6  }
0xb: {  	[sflag:s8] =	ssyncpa.u1 $0x0;
	s8 =	simm.s32 $0x0;
	s7 =	sadd.s32 $0x1, s6  }
.LBB1_9:
0xc: {  	s14 =	sadd.s32 $0x40, s10  }
0xd: {  	p1 =	sgt.s32 s14, $0x3FF  }
0xe: {  	s14 =	smov.u32 @p1 s3;
	p1 =	sne.s32 s11, s7  }
.Ltmp1:
0xf: {  	p0 =	slt.u32 s11, $0x2;
	(pc) =	sbr.rel @!p1 .LBB1_10-.Ltmp1, $4  }
0x10: {  	s13 =	simm.s32 @!p0 $0x2  }
0x11: {  	s15 =	sadd.s32 $0x1, s11;
	_ =	swait.ge @!p0 [sflag:s13], $0x4000  }
0x12: {  	s12 =	smov.u32 s10;
	s9 =	sadd.s32 $0x4000, s9;
	[sflag:s13] =	ssyncset.done @!p0 $0x0  }
0x13: {  	s11 =	smov.u32 s15;
	s10 =	smov.u32 s14;
	[sflag:s13] =	ssyncadd.s32 @!p0 $0xFFFFC000  }
.LBB1_1:
0x14: {  	p0 =	sge.u32 s11, s6  }
0x15: {  	s13 =	sxor.u32 @!p0 $0xFFFFFFFF, s11  }
0x16: {  	s31 =	sadd.s32 $0xFFFFFFFF, s11;
	s14 =	sshll.u32 @!p0 s10, $0xA;
	s13 =	sshll.u32 @!p0 s13, $0xE  }
0x17: {  	s15 =	simm.s32 @!p0 $0x0;
	s14 =	sadd.s32 @!p0 s2, s14;
	s13 =	sand.u32 @!p0 $0x4000, s13  }
0x18: {  	[tilespmem:s13], [sflag:$0x1] =	stream.linear.gather @!p0 [hbm4b:s14+s15], $0x4000, $0x38;
	[tilespmem:$0x10000] =	vst v63  }
0x19: {  	p0 =	sge.u32 s31, s6  }
.Ltmp2:
0x1a: {  	_ = 	snop;
	(pc) =	sbr.rel @p0 .LBB1_9-.Ltmp2, $1  }
0x1b: {  	_ =	sdelay $0x3  }
0x1c: {  	s13 =	sshll.u32 s9, $0x2  }
0x1d: {  	_ =	swait.ge [sflag:s5], $0x4000;
	s14 =	sshll.u32 s11, $0xE;
	s16 =	simm.s32 $0x0  }
0x1e: {  	p1 =	por $0x1, $0x1;
	s13 =	sand.u32 $0x10000, s13;
	[sflag:s5] =	ssyncset.done $0x0  }
0x1f: {  	s14 =	sand.u32 $0x4000, s14;
	s15 =	sshrl.u32 s13, $0x2;
	[sflag:s5] =	ssyncadd.s32 $0xFFFFC000  }
0x20: {  	s13 =	sor.u32 $0x8000, s14;
	s14 =	sadd.s32 $0x8040, s15;
	s15 =	sadd.s32 $0x40, s15  }
.LBB1_3:
0x21: {  	s16 =	sshll.u32 s16, $0x2  }
0x22: {  	p0 =	por p1, p1;
	s17 =	sshra.s32 s16, $0x2  }
0x23: {  	s18 =	simm.s32 $0x0;
	s16 =	sadd.s32 s17, s14;
	s17 =	sadd.s32 s17, s15  }
.LBB1_4:
0x24: {  	v0 =	vmov s17;
	_ =	sdelay $0x3  }
0x25: {  	s20 =	simm.s32 $0x0  }
0x26: {  	v6 =	vld.idx.msk [tilespmem:v0+s20+$0x30 ss:$0x1], $0xffff  }
0x27: {  	v7 =	vld.idx.msk [tilespmem:v0+s20+$0xFFFFFFC0 ss:$0x1], $0xffff  }
0x28: {  	v5 =	vld.idx.msk [tilespmem:v0+s20+$0xFFFFFFD0 ss:$0x1], $0xffff  }
0x29: {  	v4 =	vld.idx.msk [tilespmem:v0+s20+$0xFFFFFFE0 ss:$0x1], $0xffff  }
0x2a: {  	v3 =	vld.idx.msk [tilespmem:v0+s20+$0xFFFFFFF0 ss:$0x1], $0xffff  }
0x2b: {  	v1 =	vld.idx.msk [tilespmem:v0+s20+$0x0 ss:$0x1], $0xffff  }
0x2c: {  	v2 =	vld.idx.msk [tilespmem:v0+s20+$0x10 ss:$0x1], $0xffff;
	[tilespmem:s16+$0x30] =	vst v6  }
0x2d: {  	s19 =	simm.s32 $0x80;
	s21 =	simm.s32 $0x400;
	[tilespmem:s16+$0xFFFFFFC0] =	vst v7;
	v6 =	vld.idx.msk [tilespmem:v0+s20+$0x20 ss:$0x1], $0xffff;
	s20 =	smov.u32 s16  }
.LBB1_5:
0x2e: {  	p1 =	sne.s32 s21, $0xE00;
	v7 =	vld.idx.msk [tilespmem:v0+s19+$0x30 ss:$0x1], $0xffff;
	[tilespmem:s20+$0xFFFFFFD0] =	vst v5  }
0x2f: {  	v8 =	vld.idx.msk [tilespmem:v0+s19+$0xFFFFFFC0 ss:$0x1], $0xffff;
	[tilespmem:s20+$0xFFFFFFE0] =	vst v4  }
0x30: {  	v5 =	vld.idx.msk [tilespmem:v0+s19+$0xFFFFFFD0 ss:$0x1], $0xffff;
	[tilespmem:s20+$0xFFFFFFF0] =	vst v3  }
.Ltmp3:
0x31: {  	v4 =	vld.idx.msk [tilespmem:v0+s19+$0xFFFFFFE0 ss:$0x1], $0xffff;
	[tilespmem:s20+$0x0] =	vst v1;
	(pc) =	sbr.rel @p1 .LBB1_5-.Ltmp3, $4  }
0x32: {  	v3 =	vld.idx.msk [tilespmem:v0+s19+$0xFFFFFFF0 ss:$0x1], $0xffff;
	[tilespmem:s20+$0x10] =	vst v2  }
0x33: {  	v1 =	vld.idx.msk [tilespmem:v0+s19+$0x0 ss:$0x1], $0xffff;
	[tilespmem:s20+$0x20] =	vst v6;
	s20 =	sadd.s32 $0x400, s20  }
0x34: {  	v2 =	vld.idx.msk [tilespmem:v0+s19+$0x10 ss:$0x1], $0xffff;
	[tilespmem:s20+$0x30] =	vst v7  }
0x35: {  	[tilespmem:s20+$0xFFFFFFC0] =	vst v8;
	v6 =	vld.idx.msk [tilespmem:v0+s19+$0x20 ss:$0x1], $0xffff;
	s19 =	sshra.s32 s21, $0x2;
	s21 =	sadd.s32 $0x200, s21  }
0x36: {  	_ =	sdelay $0x2  }
0x37: {  	[tilespmem:s20+$0xFFFFFFD0] =	vst v5  }
0x38: {  	v56 =	vld.idx.msk [tilespmem:v0+s19+$0x30 ss:$0x1], $0xffff;
	[tilespmem:s20+$0xFFFFFFE0] =	vst v4  }
0x39: {  	v57 =	vld.idx.msk [tilespmem:v0+s19+$0xFFFFFFC0 ss:$0x1], $0xffff;
	[tilespmem:s20+$0xFFFFFFF0] =	vst v3  }
0x3a: {  	v58 =	vld.idx.msk [tilespmem:v0+s19+$0xFFFFFFD0 ss:$0x1], $0xffff;
	[tilespmem:s20+$0x0] =	vst v1  }
0x3b: {  	v59 =	vld.idx.msk [tilespmem:v0+s19+$0xFFFFFFE0 ss:$0x1], $0xffff;
	[tilespmem:s20+$0x10] =	vst v2  }
0x3c: {  	v60 =	vld.idx.msk [tilespmem:v0+s19+$0xFFFFFFF0 ss:$0x1], $0xffff;
	s31 =	sadd.s32 $0x400, s20;
	[tilespmem:s20+$0x20] =	vst v6  }
0x3d: {  	v61 =	vld.idx.msk [tilespmem:v0+s19+$0x0 ss:$0x1], $0xffff;
	[tilespmem:s31+$0x30] =	vst v56  }
0x3e: {  	v62 =	vld.idx.msk [tilespmem:v0+s19+$0x10 ss:$0x1], $0xffff;
	s18 =	sadd.s32 $0x1, s18;
	[tilespmem:s31+$0xFFFFFFC0] =	vst v57  }
0x3f: {  	v63 =	vld.idx.msk [tilespmem:v0+s19+$0x20 ss:$0x1], $0xffff;
	p1 =	sne.s32 s18, $0x8;
	[tilespmem:s31+$0xFFFFFFD0] =	vst v58  }
.Ltmp4:
0x40: {  	[tilespmem:s31+$0xFFFFFFE0] =	vst v59;
	(pc) =	sbr.rel @p1 .LBB1_4-.Ltmp4, $4  }
0x41: {  	[tilespmem:s31+$0xFFFFFFF0] =	vst v60  }
0x42: {  	[tilespmem:s31+$0x0] =	vst v61  }
0x43: {  	[tilespmem:s31+$0x10] =	vst v62  }
0x44: {  	s16 =	sadd.s32 $0x80, s16;
	s17 =	sadd.s32 $0x400, s17;
	[tilespmem:s31+$0x20] =	vst v63  }
.Ltmp5:
0x45: {  	(pc) =	sbr.rel @p0 .LBB1_3-.Ltmp5, $2  }
0x46: {  	_ =	sdelay $0x2  }
0x47: {  	s16 =	simm.s32 $0x2000;
	p1 =	por $0x0, $0x0  }
.Ltmp6:
0x48: {  	(pc) =	sbr.rel .LBB1_9-.Ltmp6, $4  }
0x49: {  	_ = 	snop  }
0x4a: {  	s12 =	sshll.u32 s12, $0xA  }
0x4b: {  	s12 =	sadd.s32 s4, s12  }
0x4c: {  	[hbm4b:s12+s8] =	stream.linear.scatter [tilespmem:s13], [sflag:$0x2], $0x4000, $0x38;
	[tilespmem:$0x10000] =	vst v63  }
.LBB1_10:
0x4d: {  	_ =	sfence.sel $0x180000  }
0x4e: {  	s2 =	simm.s32 $0x1;
	[bflag:$0x0] =	sbarrier.arrive $0xFFFF  }
0x4f: {  	s31 =	simm.s32 $0x2;
	[sflag:s2] =	ssyncpa.u1 $0x1  }
0x50: {  	[sflag:s31] =	ssyncpa.u1 $0x1  }
0x51: {  	p0 =	sne.s32 s0, $0x0;
	_ =	strace $0x90000047  }
0x52: {  	s0 =	sadd.s32 @!p0 $0x100000, s1;
	[bflag:$0x2] =	sbarrier.arrive $0xFFFF  }
0x53: {  	[sflag:s0] =	ssyncadd.tile.s32 @!p0 $0x1;
	_ =	shalt  }
.Lfunc_end1:
_tile_overlayer_lowered:
.L_overlay_start_2:
0x54: {  	(tag) =	ssettag $0x2  }
0x55: {  	s0 =	rddreg [dreg:$0x0];
	s2 =	stileid.u32  }
0x56: {  	s1 =	rddreg [dreg:$0x1];
	p0 =	sne.s32 s2, $0x0  }
0x57: {  	s3 =	rddreg [dreg:$0x2];
	[bflag:$0x3] =	sbarrier.arrive $0xFFFF;
	s2 =	simm.s32 @!p0 $0x1C01  }
0x58: {  	[timem:s3], [sflag:s2] =	dma.local @!p0 [hbm:s0], s1  }
0x59: {  	s0 =	simm.s32 @!p0 $0x1  }
0x5a: {  	_ =	swait.ge @!p0 [sflag:s0], s1  }
0x5b: {  	s1 =	ssub.s32 @!p0 $0x0, s1;
	[sflag:s0] =	ssyncset.done @!p0 $0x0  }
0x5c: {  	[sflag:s0] =	ssyncadd.s32 @!p0 s1  }
0x5d: {  	[bflag:$0x3] =	sbarrier.arrive $0xFFFF  }
0x5e: {  	_ =	shalt  }

</sc_bundles>
